<compile_context>
chip_gen: v7x
topology: tpu7x:2x2x1
jax: 0.10.2.dev20260603
libtpu: 0.0.44.dev20260713+nightly
codegen_flags: <defaults>
</compile_context>

<pallas_src>
import functools

import jax
import jax.numpy as jnp
from jax.experimental import pallas as pl
from jax.experimental.pallas import tpu as pltpu

H = 384
W = 384
HW = H * W
THING_LIST = [1, 2]
THRESHOLD = 0.1
NMS_KERNEL = 7
K_MAX = 4096

ROWS = 16
UNROLL = 16
NSPLIT = 12
CROWS = 32
CCOLS = K_MAX // CROWS


def _group_body(cy_ref, cx_ref, cyv_ref, cxv_ref, offy_ref, offx_ref, sem_ref,
                pan_ref, dist_ref):
    r = pl.program_id(0)
    row0 = (r * ROWS).astype(jnp.float32)
    iota_r = jax.lax.broadcasted_iota(jnp.int32, (ROWS, W), 0).astype(jnp.float32)
    iota_c = jax.lax.broadcasted_iota(jnp.int32, (ROWS, W), 1).astype(jnp.float32)
    ly = (row0 + iota_r) + offy_ref[...]
    lx = iota_c + offx_ref[...]

    cyv = cyv_ref[...]
    cxv = cxv_ref[...]
    ymin = jnp.min(ly)
    ymax = jnp.max(ly)
    dy_far = jnp.maximum(ymax - cyv, cyv - ymin)
    u2 = jnp.float32(0.0)
    wsplit = W // NSPLIT
    for k in range(NSPLIT):
        sl = lx[:, k * wsplit:(k + 1) * wsplit]
        xlo = jnp.min(sl)
        xhi = jnp.max(sl)
        dx_far = jnp.maximum(xhi - cxv, cxv - xlo)
        dmax2 = dy_far * dy_far + dx_far * dx_far
        u2 = jnp.maximum(u2, jnp.min(dmax2))
    u = jnp.sqrt(u2) + 1.0
    ylo = ymin - u
    yhi = ymax + u
    c_lo = jnp.sum((cyv < ylo).astype(jnp.int32))
    c_hi = jnp.sum((cyv <= yhi).astype(jnp.int32))

    def body(i, carry):
        b2, bi = carry
        c0 = i * UNROLL
        for u_ in range(UNROLL):
            c = c0 + u_
            cy = cy_ref[c]
            cx = cx_ref[c]
            dy = ly - cy
            dx = lx - cx
            d2 = dy * dy + dx * dx
            m = d2 < b2
            bi = jnp.where(m, c + 1, bi)
            b2 = jnp.minimum(b2, d2)
        return b2, bi

    b20 = jnp.full((ROWS, W), 1e10, jnp.float32)
    bi0 = jnp.zeros((ROWS, W), jnp.int32)
    b2, bi = jax.lax.fori_loop(c_lo // UNROLL, (c_hi + UNROLL - 1) // UNROLL,
                               body, (b20, bi0))

    sem = sem_ref[...]
    thing = (sem == THING_LIST[0]) | (sem == THING_LIST[1])
    pan_ref[...] = jnp.where(thing, bi, 0)
    dist_ref[...] = jnp.where(bi == 0, 1e5, jnp.sqrt(b2))


@jax.jit
def kernel(sem_seg, ctr_hmp, offsets):
    hmp = jnp.where(ctr_hmp > THRESHOLD, ctr_hmp, -1.0)
    pooled = jax.lax.reduce_window(hmp, -jnp.inf, jax.lax.max,
                                   (1, 1, NMS_KERNEL, NMS_KERNEL),
                                   (1, 1, 1, 1), 'SAME')
    keep = jnp.logical_and(hmp == pooled, hmp > 0.0)[0, 0]

    (idx,) = jnp.nonzero(keep.reshape(-1), size=K_MAX, fill_value=HW)
    valid = idx < HW
    idx_c = jnp.minimum(idx, HW - 1)
    cy = (idx_c // W).astype(jnp.float32)
    cx = (idx_c % W).astype(jnp.float32)
    ctr = jnp.stack([cy, cx], axis=-1)
    ctr = jnp.where(valid[:, None], ctr, 1e6)

    offy = offsets[0, 0]
    offx = offsets[0, 1]
    sem = sem_seg[0, 0]
    cy1 = ctr[:, 0]
    cx1 = ctr[:, 1]
    cyv = cy1.reshape(CROWS, CCOLS)
    cxv = cx1.reshape(CROWS, CCOLS)

    grid = (H // ROWS,)
    full = lambda r: (0, 0)
    tile = lambda r: (r, 0)
    pan, dist = pl.pallas_call(
        _group_body,
        grid=grid,
        in_specs=[
            pl.BlockSpec(memory_space=pltpu.SMEM),
            pl.BlockSpec(memory_space=pltpu.SMEM),
            pl.BlockSpec((CROWS, CCOLS), full),
            pl.BlockSpec((CROWS, CCOLS), full),
            pl.BlockSpec((ROWS, W), tile),
            pl.BlockSpec((ROWS, W), tile),
            pl.BlockSpec((ROWS, W), tile),
        ],
        out_specs=[
            pl.BlockSpec((ROWS, W), tile),
            pl.BlockSpec((ROWS, W), tile),
        ],
        out_shape=[
            jax.ShapeDtypeStruct((H, W), jnp.int32),
            jax.ShapeDtypeStruct((H, W), jnp.float32),
        ],
    )(cy1, cx1, cyv, cxv, offy, offx, sem)

    return pan[None], ctr[None], dist[None]

# --- scband reference (transcript-rebuilt; emitter-appended) ---
"""Pipeline reference for scband-empanada2-dinference-74113955660110 (READ-ONLY COPY).

The authoritative reference and input builder live on the scoring server;
editing this copy changes nothing except your own understanding.
"""

import jax, jax.numpy as jnp
import numpy as np

H = 384
W = 384
THING_LIST = [1, 2]
THRESHOLD = 0.1
NMS_KERNEL = 7
K_MAX = 4096
CHUNK = 32


def setup_inputs(seed: int = 0):
    key = jax.random.key(seed)
    k1, k2, k3 = jax.random.split(key, 3)
    sem_seg = jax.random.randint(k1, (1, 1, H, W), 0, 3, dtype=jnp.int32)
    ctr_hmp = jax.random.uniform(k2, (1, 1, H, W), dtype=jnp.float32)
    offsets = jax.random.normal(k3, (1, 2, H, W), dtype=jnp.float32)
    return {'sem_seg': sem_seg, 'ctr_hmp': ctr_hmp, 'offsets': offsets}


def _nms_keep_mask(ctr_hmp):
    # F.threshold(ctr_hmp, threshold, -1.0) followed by max-pool NMS
    hmp = jnp.where(ctr_hmp > THRESHOLD, ctr_hmp, -1.0)
    pooled = jax.lax.reduce_window(hmp, -jnp.inf, jax.lax.max,
                                   (1, 1, NMS_KERNEL, NMS_KERNEL),
                                   (1, 1, 1, 1), 'SAME')
    keep = jnp.logical_and(hmp == pooled, hmp > 0.0)
    return jax.lax.stop_gradient(keep[0, 0])


def _group(ctr, ctr_loc, hw):
    # chunked_pixel_grouping: running min over chunks of centers
    ids = jnp.arange(K_MAX, dtype=jnp.int32)
    ctr_chunks = ctr.reshape(K_MAX // CHUNK, CHUNK, 2)
    id_chunks = ids.reshape(K_MAX // CHUNK, CHUNK)

    def body(carry, xs):
        best_d, best_i = carry
        cc, ic = xs
        d = jnp.sqrt(jnp.sum((cc[:, None, :] - ctr_loc[None, :, :]) ** 2, axis=-1))
        md = jnp.min(d, axis=0)
        mi = jnp.argmin(d, axis=0)
        upd = md < best_d
        best_i = jnp.where(upd, ic[mi] + 1, best_i)
        best_d = jnp.minimum(best_d, md)
        return (best_d, best_i), None

    init = (jnp.full((hw,), 1e5, jnp.float32), jnp.zeros((hw,), jnp.int32))
    (best_d, best_i), _ = jax.lax.scan(body, init, (ctr_chunks, id_chunks))
    return best_d, best_i


def reference(sem_seg, ctr_hmp, offsets):
    h, w = ctr_hmp.shape[2], ctr_hmp.shape[3]
    hw = h * w
    # find_instance_center (fixed-size variant of torch.nonzero, row-major order)
    keep = _nms_keep_mask(ctr_hmp)
    (idx,) = jnp.nonzero(keep.reshape(-1), size=K_MAX, fill_value=hw)
    valid = idx < hw
    idx_c = jnp.minimum(idx, hw - 1)
    cy = (idx_c // w).astype(jnp.float32)
    cx = (idx_c % w).astype(jnp.float32)
    ctr = jnp.stack([cy, cx], axis=-1)
    ctr = jnp.where(valid[:, None], ctr, 1e6)  # invalid centers pushed far away
    # group_pixels
    off = offsets[0]
    ycoord = jnp.broadcast_to(jnp.arange(h, dtype=jnp.float32)[:, None], (h, w))
    xcoord = jnp.broadcast_to(jnp.arange(w, dtype=jnp.float32)[None, :], (h, w))
    coord = jnp.stack([ycoord, xcoord], axis=0)
    ctr_loc = (coord + off).reshape(2, hw).T
    best_d, best_i = _group(ctr, ctr_loc, hw)
    instance_id = best_i.reshape(1, h, w)
    min_dist = best_d.reshape(1, h, w)
    # thing mask from semantic prediction
    sem = sem_seg[0]
    instance_seg = jnp.zeros_like(sem)
    for tc in THING_LIST:
        instance_seg = jnp.where(sem == tc, 1, instance_seg)
    pan = instance_seg.astype(jnp.int32) * instance_id
    return pan, ctr[None, :, :], min_dist

if __name__ == "__main__":
    import jax
    _d = setup_inputs()
    print(jax.jit(kernel)(*tuple(_d.values())))

</pallas_src>

<mosaic_0001>
module attributes {stable_mosaic.version = 14 : i64} {
  func.func @_group_body(%arg0: i32, %arg1: memref<4096xf32, #tpu.memory_space<smem>>, %arg2: memref<4096xf32, #tpu.memory_space<smem>>, %arg3: memref<32x128xf32, #tpu.memory_space<vmem>>, %arg4: memref<32x128xf32, #tpu.memory_space<vmem>>, %arg5: memref<16x384xf32, #tpu.memory_space<vmem>>, %arg6: memref<16x384xf32, #tpu.memory_space<vmem>>, %arg7: memref<16x384xi32, #tpu.memory_space<vmem>>, %arg8: memref<16x384xi32, #tpu.memory_space<vmem>>, %arg9: memref<16x384xf32, #tpu.memory_space<vmem>>) attributes {dimension_semantics = [#tpu.dimension_semantics<arbitrary>], iteration_bounds = array<i64: 24>, scalar_prefetch = 0 : i64, scratch_operands = 0 : i64, tpu.core_type = #tpu.core_type<tc>, window_params = [{transform_indices = @transform_0, window_bounds = array<i64: 4096>}, {transform_indices = @transform_1, window_bounds = array<i64: 4096>}, {pipeline_mode = #tpu.pipeline_mode<synchronous>, transform_indices = @transform_2, window_bounds = array<i64: 32, 128>}, {pipeline_mode = #tpu.pipeline_mode<synchronous>, transform_indices = @transform_3, window_bounds = array<i64: 32, 128>}, {transform_indices = @transform_4, window_bounds = array<i64: 16, 384>}, {transform_indices = @transform_5, window_bounds = array<i64: 16, 384>}, {transform_indices = @transform_6, window_bounds = array<i64: 16, 384>}, {transform_indices = @transform_7, window_bounds = array<i64: 16, 384>}, {transform_indices = @transform_8, window_bounds = array<i64: 16, 384>}]} {
    %mul3A = arith.constant 16 : i32
    %mul3A_0 = arith.muli %arg0, %mul3A : i32
    %convert_element_type3A = arith.sitofp %mul3A_0 : i32 to f32
    %iota3A = tpu.iota {dimensions = array<i32: 0>} : vector<16x384xi32>
    %convert_element_type3A_1 = arith.sitofp %iota3A : vector<16x384xi32> to vector<16x384xf32>
    %iota3A_2 = tpu.iota {dimensions = array<i32: 1>} : vector<16x384xi32>
    %convert_element_type3A_3 = arith.sitofp %iota3A_2 : vector<16x384xi32> to vector<16x384xf32>
    %add3A = vector.broadcast %convert_element_type3A : f32 to vector<16x384xf32>
    %add3A_4 = arith.addf %add3A, %convert_element_type3A_1 : vector<16x384xf32>
    %get3A = arith.constant 0 : index
    %get3A_5 = arith.constant 0 : index
    %get3A_6 = vector.load %arg5[%get3A, %get3A_5] : memref<16x384xf32, #tpu.memory_space<vmem>>, vector<16x384xf32>
    %add3A_7 = arith.addf %add3A_4, %get3A_6 : vector<16x384xf32>
    %get3A_8 = arith.constant 0 : index
    %get3A_9 = arith.constant 0 : index
    %get3A_10 = vector.load %arg6[%get3A_8, %get3A_9] : memref<16x384xf32, #tpu.memory_space<vmem>>, vector<16x384xf32>
    %add3A_11 = arith.addf %convert_element_type3A_3, %get3A_10 : vector<16x384xf32>
    %get3A_12 = arith.constant 0 : index
    %get3A_13 = arith.constant 0 : index
    %get3A_14 = vector.load %arg3[%get3A_12, %get3A_13] : memref<32x128xf32, #tpu.memory_space<vmem>>, vector<32x128xf32>
    %get3A_15 = arith.constant 0 : index
    %get3A_16 = arith.constant 0 : index
    %get3A_17 = vector.load %arg4[%get3A_15, %get3A_16] : memref<32x128xf32, #tpu.memory_space<vmem>>, vector<32x128xf32>
    %reduce_min3A = vector.shape_cast %add3A_7 : vector<16x384xf32> to vector<1x16x384xf32>
    %reduce_min3A_18 = arith.constant dense<0x7F800000> : vector<1xf32>
    %reduce_min3A_19 = vector.multi_reduction <minimumf>, %reduce_min3A, %reduce_min3A_18 [1, 2] : vector<1x16x384xf32> to vector<1xf32>
    %reduce_min3A_20 = vector.shape_cast %reduce_min3A_19 : vector<1xf32> to vector<1x1x1xf32>
    %reduce_min3A_21 = vector.extract %reduce_min3A_20[0, 0, 0] : f32 from vector<1x1x1xf32>
    %reduce_max3A = vector.shape_cast %add3A_7 : vector<16x384xf32> to vector<1x16x384xf32>
    %reduce_max3A_22 = arith.constant dense<0xFF800000> : vector<1xf32>
    %reduce_max3A_23 = vector.multi_reduction <maximumf>, %reduce_max3A, %reduce_max3A_22 [1, 2] : vector<1x16x384xf32> to vector<1xf32>
    %reduce_max3A_24 = vector.shape_cast %reduce_max3A_23 : vector<1xf32> to vector<1x1x1xf32>
    %reduce_max3A_25 = vector.extract %reduce_max3A_24[0, 0, 0] : f32 from vector<1x1x1xf32>
    %sub3A = vector.broadcast %reduce_max3A_25 : f32 to vector<32x128xf32>
    %sub3A_26 = arith.subf %sub3A, %get3A_14 : vector<32x128xf32>
    %sub3A_27 = vector.broadcast %reduce_min3A_21 : f32 to vector<32x128xf32>
    %sub3A_28 = arith.subf %get3A_14, %sub3A_27 : vector<32x128xf32>
    %max3A = arith.maximumf %sub3A_26, %sub3A_28 : vector<32x128xf32>
    %slice3A = vector.extract_strided_slice %add3A_11 {offsets = [0, 0], sizes = [16, 32], strides = [1, 1]} : vector<16x384xf32> to vector<16x32xf32>
    %reduce_min3A_29 = vector.shape_cast %slice3A : vector<16x32xf32> to vector<1x16x32xf32>
    %reduce_min3A_30 = arith.constant dense<0x7F800000> : vector<1xf32>
    %reduce_min3A_31 = vector.multi_reduction <minimumf>, %reduce_min3A_29, %reduce_min3A_30 [1, 2] : vector<1x16x32xf32> to vector<1xf32>
    %reduce_min3A_32 = vector.shape_cast %reduce_min3A_31 : vector<1xf32> to vector<1x1x1xf32>
    %reduce_min3A_33 = vector.extract %reduce_min3A_32[0, 0, 0] : f32 from vector<1x1x1xf32>
    %reduce_max3A_34 = vector.shape_cast %slice3A : vector<16x32xf32> to vector<1x16x32xf32>
    %reduce_max3A_35 = arith.constant dense<0xFF800000> : vector<1xf32>
    %reduce_max3A_36 = vector.multi_reduction <maximumf>, %reduce_max3A_34, %reduce_max3A_35 [1, 2] : vector<1x16x32xf32> to vector<1xf32>
    %reduce_max3A_37 = vector.shape_cast %reduce_max3A_36 : vector<1xf32> to vector<1x1x1xf32>
    %reduce_max3A_38 = vector.extract %reduce_max3A_37[0, 0, 0] : f32 from vector<1x1x1xf32>
    %sub3A_39 = vector.broadcast %reduce_max3A_38 : f32 to vector<32x128xf32>
    %sub3A_40 = arith.subf %sub3A_39, %get3A_17 : vector<32x128xf32>
    %sub3A_41 = vector.broadcast %reduce_min3A_33 : f32 to vector<32x128xf32>
    %sub3A_42 = arith.subf %get3A_17, %sub3A_41 : vector<32x128xf32>
    %max3A_43 = arith.maximumf %sub3A_40, %sub3A_42 : vector<32x128xf32>
    %mul3A_44 = arith.mulf %max3A, %max3A : vector<32x128xf32>
    %mul3A_45 = arith.mulf %max3A_43, %max3A_43 : vector<32x128xf32>
    %add3A_46 = arith.addf %mul3A_44, %mul3A_45 : vector<32x128xf32>
    %reduce_min3A_47 = vector.shape_cast %add3A_46 : vector<32x128xf32> to vector<1x32x128xf32>
    %reduce_min3A_48 = arith.constant dense<0x7F800000> : vector<1xf32>
    %reduce_min3A_49 = vector.multi_reduction <minimumf>, %reduce_min3A_47, %reduce_min3A_48 [1, 2] : vector<1x32x128xf32> to vector<1xf32>
    %reduce_min3A_50 = vector.shape_cast %reduce_min3A_49 : vector<1xf32> to vector<1x1x1xf32>
    %reduce_min3A_51 = vector.extract %reduce_min3A_50[0, 0, 0] : f32 from vector<1x1x1xf32>
    %max3A_52 = arith.constant 0.000000e+00 : f32
    %max3A_53 = arith.maximumf %max3A_52, %reduce_min3A_51 : f32
    %slice3A_54 = vector.extract_strided_slice %add3A_11 {offsets = [0, 32], sizes = [16, 32], strides = [1, 1]} : vector<16x384xf32> to vector<16x32xf32>
    %reduce_min3A_55 = vector.shape_cast %slice3A_54 : vector<16x32xf32> to vector<1x16x32xf32>
    %reduce_min3A_56 = arith.constant dense<0x7F800000> : vector<1xf32>
    %reduce_min3A_57 = vector.multi_reduction <minimumf>, %reduce_min3A_55, %reduce_min3A_56 [1, 2] : vector<1x16x32xf32> to vector<1xf32>
    %reduce_min3A_58 = vector.shape_cast %reduce_min3A_57 : vector<1xf32> to vector<1x1x1xf32>
    %reduce_min3A_59 = vector.extract %reduce_min3A_58[0, 0, 0] : f32 from vector<1x1x1xf32>
    %reduce_max3A_60 = vector.shape_cast %slice3A_54 : vector<16x32xf32> to vector<1x16x32xf32>
    %reduce_max3A_61 = arith.constant dense<0xFF800000> : vector<1xf32>
    %reduce_max3A_62 = vector.multi_reduction <maximumf>, %reduce_max3A_60, %reduce_max3A_61 [1, 2] : vector<1x16x32xf32> to vector<1xf32>
    %reduce_max3A_63 = vector.shape_cast %reduce_max3A_62 : vector<1xf32> to vector<1x1x1xf32>
    %reduce_max3A_64 = vector.extract %reduce_max3A_63[0, 0, 0] : f32 from vector<1x1x1xf32>
    %sub3A_65 = vector.broadcast %reduce_max3A_64 : f32 to vector<32x128xf32>
    %sub3A_66 = arith.subf %sub3A_65, %get3A_17 : vector<32x128xf32>
    %sub3A_67 = vector.broadcast %reduce_min3A_59 : f32 to vector<32x128xf32>
    %sub3A_68 = arith.subf %get3A_17, %sub3A_67 : vector<32x128xf32>
    %max3A_69 = arith.maximumf %sub3A_66, %sub3A_68 : vector<32x128xf32>
    %mul3A_70 = arith.mulf %max3A, %max3A : vector<32x128xf32>
    %mul3A_71 = arith.mulf %max3A_69, %max3A_69 : vector<32x128xf32>
    %add3A_72 = arith.addf %mul3A_70, %mul3A_71 : vector<32x128xf32>
    %reduce_min3A_73 = vector.shape_cast %add3A_72 : vector<32x128xf32> to vector<1x32x128xf32>
    %reduce_min3A_74 = arith.constant dense<0x7F800000> : vector<1xf32>
    %reduce_min3A_75 = vector.multi_reduction <minimumf>, %reduce_min3A_73, %reduce_min3A_74 [1, 2] : vector<1x32x128xf32> to vector<1xf32>
    %reduce_min3A_76 = vector.shape_cast %reduce_min3A_75 : vector<1xf32> to vector<1x1x1xf32>
    %reduce_min3A_77 = vector.extract %reduce_min3A_76[0, 0, 0] : f32 from vector<1x1x1xf32>
    %max3A_78 = arith.maximumf %max3A_53, %reduce_min3A_77 : f32
    %slice3A_79 = vector.extract_strided_slice %add3A_11 {offsets = [0, 64], sizes = [16, 32], strides = [1, 1]} : vector<16x384xf32> to vector<16x32xf32>
    %reduce_min3A_80 = vector.shape_cast %slice3A_79 : vector<16x32xf32> to vector<1x16x32xf32>
    %reduce_min3A_81 = arith.constant dense<0x7F800000> : vector<1xf32>
    %reduce_min3A_82 = vector.multi_reduction <minimumf>, %reduce_min3A_80, %reduce_min3A_81 [1, 2] : vector<1x16x32xf32> to vector<1xf32>
    %reduce_min3A_83 = vector.shape_cast %reduce_min3A_82 : vector<1xf32> to vector<1x1x1xf32>
    %reduce_min3A_84 = vector.extract %reduce_min3A_83[0, 0, 0] : f32 from vector<1x1x1xf32>
    %reduce_max3A_85 = vector.shape_cast %slice3A_79 : vector<16x32xf32> to vector<1x16x32xf32>
    %reduce_max3A_86 = arith.constant dense<0xFF800000> : vector<1xf32>
    %reduce_max3A_87 = vector.multi_reduction <maximumf>, %reduce_max3A_85, %reduce_max3A_86 [1, 2] : vector<1x16x32xf32> to vector<1xf32>
    %reduce_max3A_88 = vector.shape_cast %reduce_max3A_87 : vector<1xf32> to vector<1x1x1xf32>
    %reduce_max3A_89 = vector.extract %reduce_max3A_88[0, 0, 0] : f32 from vector<1x1x1xf32>
    %sub3A_90 = vector.broadcast %reduce_max3A_89 : f32 to vector<32x128xf32>
    %sub3A_91 = arith.subf %sub3A_90, %get3A_17 : vector<32x128xf32>
    %sub3A_92 = vector.broadcast %reduce_min3A_84 : f32 to vector<32x128xf32>
    %sub3A_93 = arith.subf %get3A_17, %sub3A_92 : vector<32x128xf32>
    %max3A_94 = arith.maximumf %sub3A_91, %sub3A_93 : vector<32x128xf32>
    %mul3A_95 = arith.mulf %max3A, %max3A : vector<32x128xf32>
    %mul3A_96 = arith.mulf %max3A_94, %max3A_94 : vector<32x128xf32>
    %add3A_97 = arith.addf %mul3A_95, %mul3A_96 : vector<32x128xf32>
    %reduce_min3A_98 = vector.shape_cast %add3A_97 : vector<32x128xf32> to vector<1x32x128xf32>
    %reduce_min3A_99 = arith.constant dense<0x7F800000> : vector<1xf32>
    %reduce_min3A_100 = vector.multi_reduction <minimumf>, %reduce_min3A_98, %reduce_min3A_99 [1, 2] : vector<1x32x128xf32> to vector<1xf32>
    %reduce_min3A_101 = vector.shape_cast %reduce_min3A_100 : vector<1xf32> to vector<1x1x1xf32>
    %reduce_min3A_102 = vector.extract %reduce_min3A_101[0, 0, 0] : f32 from vector<1x1x1xf32>
    %max3A_103 = arith.maximumf %max3A_78, %reduce_min3A_102 : f32
    %slice3A_104 = vector.extract_strided_slice %add3A_11 {offsets = [0, 96], sizes = [16, 32], strides = [1, 1]} : vector<16x384xf32> to vector<16x32xf32>
    %reduce_min3A_105 = vector.shape_cast %slice3A_104 : vector<16x32xf32> to vector<1x16x32xf32>
    %reduce_min3A_106 = arith.constant dense<0x7F800000> : vector<1xf32>
    %reduce_min3A_107 = vector.multi_reduction <minimumf>, %reduce_min3A_105, %reduce_min3A_106 [1, 2] : vector<1x16x32xf32> to vector<1xf32>
    %reduce_min3A_108 = vector.shape_cast %reduce_min3A_107 : vector<1xf32> to vector<1x1x1xf32>
    %reduce_min3A_109 = vector.extract %reduce_min3A_108[0, 0, 0] : f32 from vector<1x1x1xf32>
    %reduce_max3A_110 = vector.shape_cast %slice3A_104 : vector<16x32xf32> to vector<1x16x32xf32>
    %reduce_max3A_111 = arith.constant dense<0xFF800000> : vector<1xf32>
    %reduce_max3A_112 = vector.multi_reduction <maximumf>, %reduce_max3A_110, %reduce_max3A_111 [1, 2] : vector<1x16x32xf32> to vector<1xf32>
    %reduce_max3A_113 = vector.shape_cast %reduce_max3A_112 : vector<1xf32> to vector<1x1x1xf32>
    %reduce_max3A_114 = vector.extract %reduce_max3A_113[0, 0, 0] : f32 from vector<1x1x1xf32>
    %sub3A_115 = vector.broadcast %reduce_max3A_114 : f32 to vector<32x128xf32>
    %sub3A_116 = arith.subf %sub3A_115, %get3A_17 : vector<32x128xf32>
    %sub3A_117 = vector.broadcast %reduce_min3A_109 : f32 to vector<32x128xf32>
    %sub3A_118 = arith.subf %get3A_17, %sub3A_117 : vector<32x128xf32>
    %max3A_119 = arith.maximumf %sub3A_116, %sub3A_118 : vector<32x128xf32>
    %mul3A_120 = arith.mulf %max3A, %max3A : vector<32x128xf32>
    %mul3A_121 = arith.mulf %max3A_119, %max3A_119 : vector<32x128xf32>
    %add3A_122 = arith.addf %mul3A_120, %mul3A_121 : vector<32x128xf32>
    %reduce_min3A_123 = vector.shape_cast %add3A_122 : vector<32x128xf32> to vector<1x32x128xf32>
    %reduce_min3A_124 = arith.constant dense<0x7F800000> : vector<1xf32>
    %reduce_min3A_125 = vector.multi_reduction <minimumf>, %reduce_min3A_123, %reduce_min3A_124 [1, 2] : vector<1x32x128xf32> to vector<1xf32>
    %reduce_min3A_126 = vector.shape_cast %reduce_min3A_125 : vector<1xf32> to vector<1x1x1xf32>
    %reduce_min3A_127 = vector.extract %reduce_min3A_126[0, 0, 0] : f32 from vector<1x1x1xf32>
    %max3A_128 = arith.maximumf %max3A_103, %reduce_min3A_127 : f32
    %slice3A_129 = vector.extract_strided_slice %add3A_11 {offsets = [0, 128], sizes = [16, 32], strides = [1, 1]} : vector<16x384xf32> to vector<16x32xf32>
    %reduce_min3A_130 = vector.shape_cast %slice3A_129 : vector<16x32xf32> to vector<1x16x32xf32>
    %reduce_min3A_131 = arith.constant dense<0x7F800000> : vector<1xf32>
    %reduce_min3A_132 = vector.multi_reduction <minimumf>, %reduce_min3A_130, %reduce_min3A_131 [1, 2] : vector<1x16x32xf32> to vector<1xf32>
    %reduce_min3A_133 = vector.shape_cast %reduce_min3A_132 : vector<1xf32> to vector<1x1x1xf32>
    %reduce_min3A_134 = vector.extract %reduce_min3A_133[0, 0, 0] : f32 from vector<1x1x1xf32>
    %reduce_max3A_135 = vector.shape_cast %slice3A_129 : vector<16x32xf32> to vector<1x16x32xf32>
    %reduce_max3A_136 = arith.constant dense<0xFF800000> : vector<1xf32>
    %reduce_max3A_137 = vector.multi_reduction <maximumf>, %reduce_max3A_135, %reduce_max3A_136 [1, 2] : vector<1x16x32xf32> to vector<1xf32>
    %reduce_max3A_138 = vector.shape_cast %reduce_max3A_137 : vector<1xf32> to vector<1x1x1xf32>
    %reduce_max3A_139 = vector.extract %reduce_max3A_138[0, 0, 0] : f32 from vector<1x1x1xf32>
    %sub3A_140 = vector.broadcast %reduce_max3A_139 : f32 to vector<32x128xf32>
    %sub3A_141 = arith.subf %sub3A_140, %get3A_17 : vector<32x128xf32>
    %sub3A_142 = vector.broadcast %reduce_min3A_134 : f32 to vector<32x128xf32>
    %sub3A_143 = arith.subf %get3A_17, %sub3A_142 : vector<32x128xf32>
    %max3A_144 = arith.maximumf %sub3A_141, %sub3A_143 : vector<32x128xf32>
    %mul3A_145 = arith.mulf %max3A, %max3A : vector<32x128xf32>
    %mul3A_146 = arith.mulf %max3A_144, %max3A_144 : vector<32x128xf32>
    %add3A_147 = arith.addf %mul3A_145, %mul3A_146 : vector<32x128xf32>
    %reduce_min3A_148 = vector.shape_cast %add3A_147 : vector<32x128xf32> to vector<1x32x128xf32>
    %reduce_min3A_149 = arith.constant dense<0x7F800000> : vector<1xf32>
    %reduce_min3A_150 = vector.multi_reduction <minimumf>, %reduce_min3A_148, %reduce_min3A_149 [1, 2] : vector<1x32x128xf32> to vector<1xf32>
    %reduce_min3A_151 = vector.shape_cast %reduce_min3A_150 : vector<1xf32> to vector<1x1x1xf32>
    %reduce_min3A_152 = vector.extract %reduce_min3A_151[0, 0, 0] : f32 from vector<1x1x1xf32>
    %max3A_153 = arith.maximumf %max3A_128, %reduce_min3A_152 : f32
    %slice3A_154 = vector.extract_strided_slice %add3A_11 {offsets = [0, 160], sizes = [16, 32], strides = [1, 1]} : vector<16x384xf32> to vector<16x32xf32>
    %reduce_min3A_155 = vector.shape_cast %slice3A_154 : vector<16x32xf32> to vector<1x16x32xf32>
    %reduce_min3A_156 = arith.constant dense<0x7F800000> : vector<1xf32>
    %reduce_min3A_157 = vector.multi_reduction <minimumf>, %reduce_min3A_155, %reduce_min3A_156 [1, 2] : vector<1x16x32xf32> to vector<1xf32>
    %reduce_min3A_158 = vector.shape_cast %reduce_min3A_157 : vector<1xf32> to vector<1x1x1xf32>
    %reduce_min3A_159 = vector.extract %reduce_min3A_158[0, 0, 0] : f32 from vector<1x1x1xf32>
    %reduce_max3A_160 = vector.shape_cast %slice3A_154 : vector<16x32xf32> to vector<1x16x32xf32>
    %reduce_max3A_161 = arith.constant dense<0xFF800000> : vector<1xf32>
    %reduce_max3A_162 = vector.multi_reduction <maximumf>, %reduce_max3A_160, %reduce_max3A_161 [1, 2] : vector<1x16x32xf32> to vector<1xf32>
    %reduce_max3A_163 = vector.shape_cast %reduce_max3A_162 : vector<1xf32> to vector<1x1x1xf32>
    %reduce_max3A_164 = vector.extract %reduce_max3A_163[0, 0, 0] : f32 from vector<1x1x1xf32>
    %sub3A_165 = vector.broadcast %reduce_max3A_164 : f32 to vector<32x128xf32>
    %sub3A_166 = arith.subf %sub3A_165, %get3A_17 : vector<32x128xf32>
    %sub3A_167 = vector.broadcast %reduce_min3A_159 : f32 to vector<32x128xf32>
    %sub3A_168 = arith.subf %get3A_17, %sub3A_167 : vector<32x128xf32>
    %max3A_169 = arith.maximumf %sub3A_166, %sub3A_168 : vector<32x128xf32>
    %mul3A_170 = arith.mulf %max3A, %max3A : vector<32x128xf32>
    %mul3A_171 = arith.mulf %max3A_169, %max3A_169 : vector<32x128xf32>
    %add3A_172 = arith.addf %mul3A_170, %mul3A_171 : vector<32x128xf32>
    %reduce_min3A_173 = vector.shape_cast %add3A_172 : vector<32x128xf32> to vector<1x32x128xf32>
    %reduce_min3A_174 = arith.constant dense<0x7F800000> : vector<1xf32>
    %reduce_min3A_175 = vector.multi_reduction <minimumf>, %reduce_min3A_173, %reduce_min3A_174 [1, 2] : vector<1x32x128xf32> to vector<1xf32>
    %reduce_min3A_176 = vector.shape_cast %reduce_min3A_175 : vector<1xf32> to vector<1x1x1xf32>
    %reduce_min3A_177 = vector.extract %reduce_min3A_176[0, 0, 0] : f32 from vector<1x1x1xf32>
    %max3A_178 = arith.maximumf %max3A_153, %reduce_min3A_177 : f32
    %slice3A_179 = vector.extract_strided_slice %add3A_11 {offsets = [0, 192], sizes = [16, 32], strides = [1, 1]} : vector<16x384xf32> to vector<16x32xf32>
    %reduce_min3A_180 = vector.shape_cast %slice3A_179 : vector<16x32xf32> to vector<1x16x32xf32>
    %reduce_min3A_181 = arith.constant dense<0x7F800000> : vector<1xf32>
    %reduce_min3A_182 = vector.multi_reduction <minimumf>, %reduce_min3A_180, %reduce_min3A_181 [1, 2] : vector<1x16x32xf32> to vector<1xf32>
    %reduce_min3A_183 = vector.shape_cast %reduce_min3A_182 : vector<1xf32> to vector<1x1x1xf32>
    %reduce_min3A_184 = vector.extract %reduce_min3A_183[0, 0, 0] : f32 from vector<1x1x1xf32>
    %reduce_max3A_185 = vector.shape_cast %slice3A_179 : vector<16x32xf32> to vector<1x16x32xf32>
    %reduce_max3A_186 = arith.constant dense<0xFF800000> : vector<1xf32>
    %reduce_max3A_187 = vector.multi_reduction <maximumf>, %reduce_max3A_185, %reduce_max3A_186 [1, 2] : vector<1x16x32xf32> to vector<1xf32>
    %reduce_max3A_188 = vector.shape_cast %reduce_max3A_187 : vector<1xf32> to vector<1x1x1xf32>
    %reduce_max3A_189 = vector.extract %reduce_max3A_188[0, 0, 0] : f32 from vector<1x1x1xf32>
    %sub3A_190 = vector.broadcast %reduce_max3A_189 : f32 to vector<32x128xf32>
    %sub3A_191 = arith.subf %sub3A_190, %get3A_17 : vector<32x128xf32>
    %sub3A_192 = vector.broadcast %reduce_min3A_184 : f32 to vector<32x128xf32>
    %sub3A_193 = arith.subf %get3A_17, %sub3A_192 : vector<32x128xf32>
    %max3A_194 = arith.maximumf %sub3A_191, %sub3A_193 : vector<32x128xf32>
    %mul3A_195 = arith.mulf %max3A, %max3A : vector<32x128xf32>
    %mul3A_196 = arith.mulf %max3A_194, %max3A_194 : vector<32x128xf32>
    %add3A_197 = arith.addf %mul3A_195, %mul3A_196 : vector<32x128xf32>
    %reduce_min3A_198 = vector.shape_cast %add3A_197 : vector<32x128xf32> to vector<1x32x128xf32>
    %reduce_min3A_199 = arith.constant dense<0x7F800000> : vector<1xf32>
    %reduce_min3A_200 = vector.multi_reduction <minimumf>, %reduce_min3A_198, %reduce_min3A_199 [1, 2] : vector<1x32x128xf32> to vector<1xf32>
    %reduce_min3A_201 = vector.shape_cast %reduce_min3A_200 : vector<1xf32> to vector<1x1x1xf32>
    %reduce_min3A_202 = vector.extract %reduce_min3A_201[0, 0, 0] : f32 from vector<1x1x1xf32>
    %max3A_203 = arith.maximumf %max3A_178, %reduce_min3A_202 : f32
    %slice3A_204 = vector.extract_strided_slice %add3A_11 {offsets = [0, 224], sizes = [16, 32], strides = [1, 1]} : vector<16x384xf32> to vector<16x32xf32>
    %reduce_min3A_205 = vector.shape_cast %slice3A_204 : vector<16x32xf32> to vector<1x16x32xf32>
    %reduce_min3A_206 = arith.constant dense<0x7F800000> : vector<1xf32>
    %reduce_min3A_207 = vector.multi_reduction <minimumf>, %reduce_min3A_205, %reduce_min3A_206 [1, 2] : vector<1x16x32xf32> to vector<1xf32>
    %reduce_min3A_208 = vector.shape_cast %reduce_min3A_207 : vector<1xf32> to vector<1x1x1xf32>
    %reduce_min3A_209 = vector.extract %reduce_min3A_208[0, 0, 0] : f32 from vector<1x1x1xf32>
    %reduce_max3A_210 = vector.shape_cast %slice3A_204 : vector<16x32xf32> to vector<1x16x32xf32>
    %reduce_max3A_211 = arith.constant dense<0xFF800000> : vector<1xf32>
    %reduce_max3A_212 = vector.multi_reduction <maximumf>, %reduce_max3A_210, %reduce_max3A_211 [1, 2] : vector<1x16x32xf32> to vector<1xf32>
    %reduce_max3A_213 = vector.shape_cast %reduce_max3A_212 : vector<1xf32> to vector<1x1x1xf32>
    %reduce_max3A_214 = vector.extract %reduce_max3A_213[0, 0, 0] : f32 from vector<1x1x1xf32>
    %sub3A_215 = vector.broadcast %reduce_max3A_214 : f32 to vector<32x128xf32>
    %sub3A_216 = arith.subf %sub3A_215, %get3A_17 : vector<32x128xf32>
    %sub3A_217 = vector.broadcast %reduce_min3A_209 : f32 to vector<32x128xf32>
    %sub3A_218 = arith.subf %get3A_17, %sub3A_217 : vector<32x128xf32>
    %max3A_219 = arith.maximumf %sub3A_216, %sub3A_218 : vector<32x128xf32>
    %mul3A_220 = arith.mulf %max3A, %max3A : vector<32x128xf32>
    %mul3A_221 = arith.mulf %max3A_219, %max3A_219 : vector<32x128xf32>
    %add3A_222 = arith.addf %mul3A_220, %mul3A_221 : vector<32x128xf32>
    %reduce_min3A_223 = vector.shape_cast %add3A_222 : vector<32x128xf32> to vector<1x32x128xf32>
    %reduce_min3A_224 = arith.constant dense<0x7F800000> : vector<1xf32>
    %reduce_min3A_225 = vector.multi_reduction <minimumf>, %reduce_min3A_223, %reduce_min3A_224 [1, 2] : vector<1x32x128xf32> to vector<1xf32>
    %reduce_min3A_226 = vector.shape_cast %reduce_min3A_225 : vector<1xf32> to vector<1x1x1xf32>
    %reduce_min3A_227 = vector.extract %reduce_min3A_226[0, 0, 0] : f32 from vector<1x1x1xf32>
    %max3A_228 = arith.maximumf %max3A_203, %reduce_min3A_227 : f32
    %slice3A_229 = vector.extract_strided_slice %add3A_11 {offsets = [0, 256], sizes = [16, 32], strides = [1, 1]} : vector<16x384xf32> to vector<16x32xf32>
    %reduce_min3A_230 = vector.shape_cast %slice3A_229 : vector<16x32xf32> to vector<1x16x32xf32>
    %reduce_min3A_231 = arith.constant dense<0x7F800000> : vector<1xf32>
    %reduce_min3A_232 = vector.multi_reduction <minimumf>, %reduce_min3A_230, %reduce_min3A_231 [1, 2] : vector<1x16x32xf32> to vector<1xf32>
    %reduce_min3A_233 = vector.shape_cast %reduce_min3A_232 : vector<1xf32> to vector<1x1x1xf32>
    %reduce_min3A_234 = vector.extract %reduce_min3A_233[0, 0, 0] : f32 from vector<1x1x1xf32>
    %reduce_max3A_235 = vector.shape_cast %slice3A_229 : vector<16x32xf32> to vector<1x16x32xf32>
    %reduce_max3A_236 = arith.constant dense<0xFF800000> : vector<1xf32>
    %reduce_max3A_237 = vector.multi_reduction <maximumf>, %reduce_max3A_235, %reduce_max3A_236 [1, 2] : vector<1x16x32xf32> to vector<1xf32>
    %reduce_max3A_238 = vector.shape_cast %reduce_max3A_237 : vector<1xf32> to vector<1x1x1xf32>
    %reduce_max3A_239 = vector.extract %reduce_max3A_238[0, 0, 0] : f32 from vector<1x1x1xf32>
    %sub3A_240 = vector.broadcast %reduce_max3A_239 : f32 to vector<32x128xf32>
    %sub3A_241 = arith.subf %sub3A_240, %get3A_17 : vector<32x128xf32>
    %sub3A_242 = vector.broadcast %reduce_min3A_234 : f32 to vector<32x128xf32>
    %sub3A_243 = arith.subf %get3A_17, %sub3A_242 : vector<32x128xf32>
    %max3A_244 = arith.maximumf %sub3A_241, %sub3A_243 : vector<32x128xf32>
    %mul3A_245 = arith.mulf %max3A, %max3A : vector<32x128xf32>
    %mul3A_246 = arith.mulf %max3A_244, %max3A_244 : vector<32x128xf32>
    %add3A_247 = arith.addf %mul3A_245, %mul3A_246 : vector<32x128xf32>
    %reduce_min3A_248 = vector.shape_cast %add3A_247 : vector<32x128xf32> to vector<1x32x128xf32>
    %reduce_min3A_249 = arith.constant dense<0x7F800000> : vector<1xf32>
    %reduce_min3A_250 = vector.multi_reduction <minimumf>, %reduce_min3A_248, %reduce_min3A_249 [1, 2] : vector<1x32x128xf32> to vector<1xf32>
    %reduce_min3A_251 = vector.shape_cast %reduce_min3A_250 : vector<1xf32> to vector<1x1x1xf32>
    %reduce_min3A_252 = vector.extract %reduce_min3A_251[0, 0, 0] : f32 from vector<1x1x1xf32>
    %max3A_253 = arith.maximumf %max3A_228, %reduce_min3A_252 : f32
    %slice3A_254 = vector.extract_strided_slice %add3A_11 {offsets = [0, 288], sizes = [16, 32], strides = [1, 1]} : vector<16x384xf32> to vector<16x32xf32>
    %reduce_min3A_255 = vector.shape_cast %slice3A_254 : vector<16x32xf32> to vector<1x16x32xf32>
    %reduce_min3A_256 = arith.constant dense<0x7F800000> : vector<1xf32>
    %reduce_min3A_257 = vector.multi_reduction <minimumf>, %reduce_min3A_255, %reduce_min3A_256 [1, 2] : vector<1x16x32xf32> to vector<1xf32>
    %reduce_min3A_258 = vector.shape_cast %reduce_min3A_257 : vector<1xf32> to vector<1x1x1xf32>
    %reduce_min3A_259 = vector.extract %reduce_min3A_258[0, 0, 0] : f32 from vector<1x1x1xf32>
    %reduce_max3A_260 = vector.shape_cast %slice3A_254 : vector<16x32xf32> to vector<1x16x32xf32>
    %reduce_max3A_261 = arith.constant dense<0xFF800000> : vector<1xf32>
    %reduce_max3A_262 = vector.multi_reduction <maximumf>, %reduce_max3A_260, %reduce_max3A_261 [1, 2] : vector<1x16x32xf32> to vector<1xf32>
    %reduce_max3A_263 = vector.shape_cast %reduce_max3A_262 : vector<1xf32> to vector<1x1x1xf32>
    %reduce_max3A_264 = vector.extract %reduce_max3A_263[0, 0, 0] : f32 from vector<1x1x1xf32>
    %sub3A_265 = vector.broadcast %reduce_max3A_264 : f32 to vector<32x128xf32>
    %sub3A_266 = arith.subf %sub3A_265, %get3A_17 : vector<32x128xf32>
    %sub3A_267 = vector.broadcast %reduce_min3A_259 : f32 to vector<32x128xf32>
    %sub3A_268 = arith.subf %get3A_17, %sub3A_267 : vector<32x128xf32>
    %max3A_269 = arith.maximumf %sub3A_266, %sub3A_268 : vector<32x128xf32>
    %mul3A_270 = arith.mulf %max3A, %max3A : vector<32x128xf32>
    %mul3A_271 = arith.mulf %max3A_269, %max3A_269 : vector<32x128xf32>
    %add3A_272 = arith.addf %mul3A_270, %mul3A_271 : vector<32x128xf32>
    %reduce_min3A_273 = vector.shape_cast %add3A_272 : vector<32x128xf32> to vector<1x32x128xf32>
    %reduce_min3A_274 = arith.constant dense<0x7F800000> : vector<1xf32>
    %reduce_min3A_275 = vector.multi_reduction <minimumf>, %reduce_min3A_273, %reduce_min3A_274 [1, 2] : vector<1x32x128xf32> to vector<1xf32>
    %reduce_min3A_276 = vector.shape_cast %reduce_min3A_275 : vector<1xf32> to vector<1x1x1xf32>
    %reduce_min3A_277 = vector.extract %reduce_min3A_276[0, 0, 0] : f32 from vector<1x1x1xf32>
    %max3A_278 = arith.maximumf %max3A_253, %reduce_min3A_277 : f32
    %slice3A_279 = vector.extract_strided_slice %add3A_11 {offsets = [0, 320], sizes = [16, 32], strides = [1, 1]} : vector<16x384xf32> to vector<16x32xf32>
    %reduce_min3A_280 = vector.shape_cast %slice3A_279 : vector<16x32xf32> to vector<1x16x32xf32>
    %reduce_min3A_281 = arith.constant dense<0x7F800000> : vector<1xf32>
    %reduce_min3A_282 = vector.multi_reduction <minimumf>, %reduce_min3A_280, %reduce_min3A_281 [1, 2] : vector<1x16x32xf32> to vector<1xf32>
    %reduce_min3A_283 = vector.shape_cast %reduce_min3A_282 : vector<1xf32> to vector<1x1x1xf32>
    %reduce_min3A_284 = vector.extract %reduce_min3A_283[0, 0, 0] : f32 from vector<1x1x1xf32>
    %reduce_max3A_285 = vector.shape_cast %slice3A_279 : vector<16x32xf32> to vector<1x16x32xf32>
    %reduce_max3A_286 = arith.constant dense<0xFF800000> : vector<1xf32>
    %reduce_max3A_287 = vector.multi_reduction <maximumf>, %reduce_max3A_285, %reduce_max3A_286 [1, 2] : vector<1x16x32xf32> to vector<1xf32>
    %reduce_max3A_288 = vector.shape_cast %reduce_max3A_287 : vector<1xf32> to vector<1x1x1xf32>
    %reduce_max3A_289 = vector.extract %reduce_max3A_288[0, 0, 0] : f32 from vector<1x1x1xf32>
    %sub3A_290 = vector.broadcast %reduce_max3A_289 : f32 to vector<32x128xf32>
    %sub3A_291 = arith.subf %sub3A_290, %get3A_17 : vector<32x128xf32>
    %sub3A_292 = vector.broadcast %reduce_min3A_284 : f32 to vector<32x128xf32>
    %sub3A_293 = arith.subf %get3A_17, %sub3A_292 : vector<32x128xf32>
    %max3A_294 = arith.maximumf %sub3A_291, %sub3A_293 : vector<32x128xf32>
    %mul3A_295 = arith.mulf %max3A, %max3A : vector<32x128xf32>
    %mul3A_296 = arith.mulf %max3A_294, %max3A_294 : vector<32x128xf32>
    %add3A_297 = arith.addf %mul3A_295, %mul3A_296 : vector<32x128xf32>
    %reduce_min3A_298 = vector.shape_cast %add3A_297 : vector<32x128xf32> to vector<1x32x128xf32>
    %reduce_min3A_299 = arith.constant dense<0x7F800000> : vector<1xf32>
    %reduce_min3A_300 = vector.multi_reduction <minimumf>, %reduce_min3A_298, %reduce_min3A_299 [1, 2] : vector<1x32x128xf32> to vector<1xf32>
    %reduce_min3A_301 = vector.shape_cast %reduce_min3A_300 : vector<1xf32> to vector<1x1x1xf32>
    %reduce_min3A_302 = vector.extract %reduce_min3A_301[0, 0, 0] : f32 from vector<1x1x1xf32>
    %max3A_303 = arith.maximumf %max3A_278, %reduce_min3A_302 : f32
    %slice3A_304 = vector.extract_strided_slice %add3A_11 {offsets = [0, 352], sizes = [16, 32], strides = [1, 1]} : vector<16x384xf32> to vector<16x32xf32>
    %reduce_min3A_305 = vector.shape_cast %slice3A_304 : vector<16x32xf32> to vector<1x16x32xf32>
    %reduce_min3A_306 = arith.constant dense<0x7F800000> : vector<1xf32>
    %reduce_min3A_307 = vector.multi_reduction <minimumf>, %reduce_min3A_305, %reduce_min3A_306 [1, 2] : vector<1x16x32xf32> to vector<1xf32>
    %reduce_min3A_308 = vector.shape_cast %reduce_min3A_307 : vector<1xf32> to vector<1x1x1xf32>
    %reduce_min3A_309 = vector.extract %reduce_min3A_308[0, 0, 0] : f32 from vector<1x1x1xf32>
    %reduce_max3A_310 = vector.shape_cast %slice3A_304 : vector<16x32xf32> to vector<1x16x32xf32>
    %reduce_max3A_311 = arith.constant dense<0xFF800000> : vector<1xf32>
    %reduce_max3A_312 = vector.multi_reduction <maximumf>, %reduce_max3A_310, %reduce_max3A_311 [1, 2] : vector<1x16x32xf32> to vector<1xf32>
    %reduce_max3A_313 = vector.shape_cast %reduce_max3A_312 : vector<1xf32> to vector<1x1x1xf32>
    %reduce_max3A_314 = vector.extract %reduce_max3A_313[0, 0, 0] : f32 from vector<1x1x1xf32>
    %sub3A_315 = vector.broadcast %reduce_max3A_314 : f32 to vector<32x128xf32>
    %sub3A_316 = arith.subf %sub3A_315, %get3A_17 : vector<32x128xf32>
    %sub3A_317 = vector.broadcast %reduce_min3A_309 : f32 to vector<32x128xf32>
    %sub3A_318 = arith.subf %get3A_17, %sub3A_317 : vector<32x128xf32>
    %max3A_319 = arith.maximumf %sub3A_316, %sub3A_318 : vector<32x128xf32>
    %mul3A_320 = arith.mulf %max3A, %max3A : vector<32x128xf32>
    %mul3A_321 = arith.mulf %max3A_319, %max3A_319 : vector<32x128xf32>
    %add3A_322 = arith.addf %mul3A_320, %mul3A_321 : vector<32x128xf32>
    %reduce_min3A_323 = vector.shape_cast %add3A_322 : vector<32x128xf32> to vector<1x32x128xf32>
    %reduce_min3A_324 = arith.constant dense<0x7F800000> : vector<1xf32>
    %reduce_min3A_325 = vector.multi_reduction <minimumf>, %reduce_min3A_323, %reduce_min3A_324 [1, 2] : vector<1x32x128xf32> to vector<1xf32>
    %reduce_min3A_326 = vector.shape_cast %reduce_min3A_325 : vector<1xf32> to vector<1x1x1xf32>
    %reduce_min3A_327 = vector.extract %reduce_min3A_326[0, 0, 0] : f32 from vector<1x1x1xf32>
    %max3A_328 = arith.maximumf %max3A_303, %reduce_min3A_327 : f32
    %sqrt3A = math.sqrt %max3A_328 : f32
    %add3A_329 = arith.constant 1.000000e+00 : f32
    %add3A_330 = arith.addf %sqrt3A, %add3A_329 : f32
    %sub3A_331 = arith.subf %reduce_min3A_21, %add3A_330 : f32
    %add3A_332 = arith.addf %reduce_max3A_25, %add3A_330 : f32
    %lt3A = vector.broadcast %sub3A_331 : f32 to vector<32x128xf32>
    %lt3A_333 = arith.cmpf olt, %get3A_14, %lt3A : vector<32x128xf32>
    %convert_element_type3A_334 = arith.extui %lt3A_333 : vector<32x128xi1> to vector<32x128xi32>
    %reduce_sum3A = vector.shape_cast %convert_element_type3A_334 : vector<32x128xi32> to vector<1x32x128xi32>
    %reduce_sum3A_335 = arith.constant dense<0> : vector<1xi32>
    %reduce_sum3A_336 = vector.multi_reduction <add>, %reduce_sum3A, %reduce_sum3A_335 [1, 2] : vector<1x32x128xi32> to vector<1xi32>
    %reduce_sum3A_337 = vector.shape_cast %reduce_sum3A_336 : vector<1xi32> to vector<1x1x1xi32>
    %reduce_sum3A_338 = vector.extract %reduce_sum3A_337[0, 0, 0] : i32 from vector<1x1x1xi32>
    %le3A = vector.broadcast %add3A_332 : f32 to vector<32x128xf32>
    %le3A_339 = arith.cmpf ole, %get3A_14, %le3A : vector<32x128xf32>
    %convert_element_type3A_340 = arith.extui %le3A_339 : vector<32x128xi1> to vector<32x128xi32>
    %reduce_sum3A_341 = vector.shape_cast %convert_element_type3A_340 : vector<32x128xi32> to vector<1x32x128xi32>
    %reduce_sum3A_342 = arith.constant dense<0> : vector<1xi32>
    %reduce_sum3A_343 = vector.multi_reduction <add>, %reduce_sum3A_341, %reduce_sum3A_342 [1, 2] : vector<1x32x128xi32> to vector<1xi32>
    %reduce_sum3A_344 = vector.shape_cast %reduce_sum3A_343 : vector<1xi32> to vector<1x1x1xi32>
    %reduce_sum3A_345 = vector.extract %reduce_sum3A_344[0, 0, 0] : i32 from vector<1x1x1xi32>
    %broadcast_in_dim3A = arith.constant 1.000000e+10 : f32
    %broadcast_in_dim3A_346 = vector.broadcast %broadcast_in_dim3A : f32 to vector<16x384xf32>
    %broadcast_in_dim3A_347 = arith.constant 0 : i32
    %broadcast_in_dim3A_348 = vector.broadcast %broadcast_in_dim3A_347 : i32 to vector<16x384xi32>
    %jit3A = arith.constant 16 : i32
    %div3A = arith.divsi %reduce_sum3A_338, %jit3A : i32
    %sign3A = arith.constant 0 : i32
    %sign3A_349 = arith.cmpi sgt, %reduce_sum3A_338, %sign3A : i32
    %sign3A_350 = arith.extui %sign3A_349 : i1 to i32
    %sign3A_351 = arith.constant 0 : i32
    %sign3A_352 = arith.cmpi slt, %reduce_sum3A_338, %sign3A_351 : i32
    %sign3A_353 = arith.extui %sign3A_352 : i1 to i32
    %sign3A_354 = arith.subi %sign3A_350, %sign3A_353 : i32
    %sign3A_355 = arith.constant 0 : i32
    %sign3A_356 = arith.cmpi sgt, %jit3A, %sign3A_355 : i32
    %sign3A_357 = arith.extui %sign3A_356 : i1 to i32
    %sign3A_358 = arith.constant 0 : i32
    %sign3A_359 = arith.cmpi slt, %jit3A, %sign3A_358 : i32
    %sign3A_360 = arith.extui %sign3A_359 : i1 to i32
    %sign3A_361 = arith.subi %sign3A_357, %sign3A_360 : i32
    %ne3A = arith.cmpi ne, %sign3A_354, %sign3A_361 : i32
    %rem3A = arith.remsi %reduce_sum3A_338, %jit3A : i32
    %ne3A_362 = arith.constant 0 : i32
    %ne3A_363 = arith.cmpi ne, %rem3A, %ne3A_362 : i32
    %and3A = arith.andi %ne3A, %ne3A_363 : i1
    %sub3A_364 = arith.constant 1 : i32
    %sub3A_365 = arith.subi %div3A, %sub3A_364 : i32
    %select_n3A = arith.select %and3A, %sub3A_365, %div3A : i32
    %add3A_366 = arith.constant 16 : i32
    %add3A_367 = arith.addi %reduce_sum3A_345, %add3A_366 : i32
    %sub3A_368 = arith.constant 1 : i32
    %sub3A_369 = arith.subi %add3A_367, %sub3A_368 : i32
    %jit3A_370 = arith.constant 16 : i32
    %div3A_371 = arith.divsi %sub3A_369, %jit3A_370 : i32
    %sign3A_372 = arith.constant 0 : i32
    %sign3A_373 = arith.cmpi sgt, %sub3A_369, %sign3A_372 : i32
    %sign3A_374 = arith.extui %sign3A_373 : i1 to i32
    %sign3A_375 = arith.constant 0 : i32
    %sign3A_376 = arith.cmpi slt, %sub3A_369, %sign3A_375 : i32
    %sign3A_377 = arith.extui %sign3A_376 : i1 to i32
    %sign3A_378 = arith.subi %sign3A_374, %sign3A_377 : i32
    %sign3A_379 = arith.constant 0 : i32
    %sign3A_380 = arith.cmpi sgt, %jit3A_370, %sign3A_379 : i32
    %sign3A_381 = arith.extui %sign3A_380 : i1 to i32
    %sign3A_382 = arith.constant 0 : i32
    %sign3A_383 = arith.cmpi slt, %jit3A_370, %sign3A_382 : i32
    %sign3A_384 = arith.extui %sign3A_383 : i1 to i32
    %sign3A_385 = arith.subi %sign3A_381, %sign3A_384 : i32
    %ne3A_386 = arith.cmpi ne, %sign3A_378, %sign3A_385 : i32
    %rem3A_387 = arith.remsi %sub3A_369, %jit3A_370 : i32
    %ne3A_388 = arith.constant 0 : i32
    %ne3A_389 = arith.cmpi ne, %rem3A_387, %ne3A_388 : i32
    %and3A_390 = arith.andi %ne3A_386, %ne3A_389 : i1
    %sub3A_391 = arith.constant 1 : i32
    %sub3A_392 = arith.subi %div3A_371, %sub3A_391 : i32
    %select_n3A_393 = arith.select %and3A_390, %sub3A_392, %div3A_371 : i32
    %while3A = arith.subi %select_n3A_393, %select_n3A : i32
    %while3A_394 = arith.addi %select_n3A, %while3A : i32
    %while3A_395 = arith.constant 1 : i32
    %while3A_396 = arith.divsi %while3A, %while3A_395 : i32
    %while3A_397 = arith.muli %while3A_396, %while3A_395 : i32
    %while3A_398 = arith.addi %select_n3A, %while3A_397 : i32
    %while3A_399 = arith.constant 1 : i32
    %while3A_400:2 = scf.for %while3A_426 = %select_n3A to %while3A_398 step %while3A_399 iter_args(%while3A_427 = %broadcast_in_dim3A_346, %while3A_428 = %broadcast_in_dim3A_348) -> (vector<16x384xf32>, vector<16x384xi32>)  : i32 {
      %mul3A_429 = arith.constant 16 : i32
      %mul3A_430 = arith.muli %while3A_426, %mul3A_429 : i32
      %add3A_431 = arith.constant 0 : i32
      %add3A_432 = arith.addi %mul3A_430, %add3A_431 : i32
      %get3A_433 = arith.index_cast %add3A_432 : i32 to index
      %get3A_434 = memref.load %arg1[%get3A_433] : memref<4096xf32, #tpu.memory_space<smem>>
      %get3A_435 = arith.index_cast %add3A_432 : i32 to index
      %get3A_436 = memref.load %arg2[%get3A_435] : memref<4096xf32, #tpu.memory_space<smem>>
      %sub3A_437 = vector.broadcast %get3A_434 : f32 to vector<16x384xf32>
      %sub3A_438 = arith.subf %add3A_7, %sub3A_437 : vector<16x384xf32>
      %sub3A_439 = vector.broadcast %get3A_436 : f32 to vector<16x384xf32>
      %sub3A_440 = arith.subf %add3A_11, %sub3A_439 : vector<16x384xf32>
      %mul3A_441 = arith.mulf %sub3A_438, %sub3A_438 : vector<16x384xf32>
      %mul3A_442 = arith.mulf %sub3A_440, %sub3A_440 : vector<16x384xf32>
      %add3A_443 = arith.addf %mul3A_441, %mul3A_442 : vector<16x384xf32>
      %lt3A_444 = arith.cmpf olt, %add3A_443, %while3A_427 : vector<16x384xf32>
      %add3A_445 = arith.constant 1 : i32
      %add3A_446 = arith.addi %add3A_432, %add3A_445 : i32
      %broadcast_in_dim3A_447 = vector.broadcast %add3A_446 : i32 to vector<16x384xi32>
      %select_n3A_448 = arith.select %lt3A_444, %broadcast_in_dim3A_447, %while3A_428 : vector<16x384xi1>, vector<16x384xi32>
      %min3A = arith.minimumf %while3A_427, %add3A_443 : vector<16x384xf32>
      %add3A_449 = arith.constant 1 : i32
      %add3A_450 = arith.addi %mul3A_430, %add3A_449 : i32
      %get3A_451 = arith.index_cast %add3A_450 : i32 to index
      %get3A_452 = memref.load %arg1[%get3A_451] : memref<4096xf32, #tpu.memory_space<smem>>
      %get3A_453 = arith.index_cast %add3A_450 : i32 to index
      %get3A_454 = memref.load %arg2[%get3A_453] : memref<4096xf32, #tpu.memory_space<smem>>
      %sub3A_455 = vector.broadcast %get3A_452 : f32 to vector<16x384xf32>
      %sub3A_456 = arith.subf %add3A_7, %sub3A_455 : vector<16x384xf32>
      %sub3A_457 = vector.broadcast %get3A_454 : f32 to vector<16x384xf32>
      %sub3A_458 = arith.subf %add3A_11, %sub3A_457 : vector<16x384xf32>
      %mul3A_459 = arith.mulf %sub3A_456, %sub3A_456 : vector<16x384xf32>
      %mul3A_460 = arith.mulf %sub3A_458, %sub3A_458 : vector<16x384xf32>
      %add3A_461 = arith.addf %mul3A_459, %mul3A_460 : vector<16x384xf32>
      %lt3A_462 = arith.cmpf olt, %add3A_461, %min3A : vector<16x384xf32>
      %add3A_463 = arith.constant 1 : i32
      %add3A_464 = arith.addi %add3A_450, %add3A_463 : i32
      %broadcast_in_dim3A_465 = vector.broadcast %add3A_464 : i32 to vector<16x384xi32>
      %select_n3A_466 = arith.select %lt3A_462, %broadcast_in_dim3A_465, %select_n3A_448 : vector<16x384xi1>, vector<16x384xi32>
      %min3A_467 = arith.minimumf %min3A, %add3A_461 : vector<16x384xf32>
      %add3A_468 = arith.constant 2 : i32
      %add3A_469 = arith.addi %mul3A_430, %add3A_468 : i32
      %get3A_470 = arith.index_cast %add3A_469 : i32 to index
      %get3A_471 = memref.load %arg1[%get3A_470] : memref<4096xf32, #tpu.memory_space<smem>>
      %get3A_472 = arith.index_cast %add3A_469 : i32 to index
      %get3A_473 = memref.load %arg2[%get3A_472] : memref<4096xf32, #tpu.memory_space<smem>>
      %sub3A_474 = vector.broadcast %get3A_471 : f32 to vector<16x384xf32>
      %sub3A_475 = arith.subf %add3A_7, %sub3A_474 : vector<16x384xf32>
      %sub3A_476 = vector.broadcast %get3A_473 : f32 to vector<16x384xf32>
      %sub3A_477 = arith.subf %add3A_11, %sub3A_476 : vector<16x384xf32>
      %mul3A_478 = arith.mulf %sub3A_475, %sub3A_475 : vector<16x384xf32>
      %mul3A_479 = arith.mulf %sub3A_477, %sub3A_477 : vector<16x384xf32>
      %add3A_480 = arith.addf %mul3A_478, %mul3A_479 : vector<16x384xf32>
      %lt3A_481 = arith.cmpf olt, %add3A_480, %min3A_467 : vector<16x384xf32>
      %add3A_482 = arith.constant 1 : i32
      %add3A_483 = arith.addi %add3A_469, %add3A_482 : i32
      %broadcast_in_dim3A_484 = vector.broadcast %add3A_483 : i32 to vector<16x384xi32>
      %select_n3A_485 = arith.select %lt3A_481, %broadcast_in_dim3A_484, %select_n3A_466 : vector<16x384xi1>, vector<16x384xi32>
      %min3A_486 = arith.minimumf %min3A_467, %add3A_480 : vector<16x384xf32>
      %add3A_487 = arith.constant 3 : i32
      %add3A_488 = arith.addi %mul3A_430, %add3A_487 : i32
      %get3A_489 = arith.index_cast %add3A_488 : i32 to index
      %get3A_490 = memref.load %arg1[%get3A_489] : memref<4096xf32, #tpu.memory_space<smem>>
      %get3A_491 = arith.index_cast %add3A_488 : i32 to index
      %get3A_492 = memref.load %arg2[%get3A_491] : memref<4096xf32, #tpu.memory_space<smem>>
      %sub3A_493 = vector.broadcast %get3A_490 : f32 to vector<16x384xf32>
      %sub3A_494 = arith.subf %add3A_7, %sub3A_493 : vector<16x384xf32>
      %sub3A_495 = vector.broadcast %get3A_492 : f32 to vector<16x384xf32>
      %sub3A_496 = arith.subf %add3A_11, %sub3A_495 : vector<16x384xf32>
      %mul3A_497 = arith.mulf %sub3A_494, %sub3A_494 : vector<16x384xf32>
      %mul3A_498 = arith.mulf %sub3A_496, %sub3A_496 : vector<16x384xf32>
      %add3A_499 = arith.addf %mul3A_497, %mul3A_498 : vector<16x384xf32>
      %lt3A_500 = arith.cmpf olt, %add3A_499, %min3A_486 : vector<16x384xf32>
      %add3A_501 = arith.constant 1 : i32
      %add3A_502 = arith.addi %add3A_488, %add3A_501 : i32
      %broadcast_in_dim3A_503 = vector.broadcast %add3A_502 : i32 to vector<16x384xi32>
      %select_n3A_504 = arith.select %lt3A_500, %broadcast_in_dim3A_503, %select_n3A_485 : vector<16x384xi1>, vector<16x384xi32>
      %min3A_505 = arith.minimumf %min3A_486, %add3A_499 : vector<16x384xf32>
      %add3A_506 = arith.constant 4 : i32
      %add3A_507 = arith.addi %mul3A_430, %add3A_506 : i32
      %get3A_508 = arith.index_cast %add3A_507 : i32 to index
      %get3A_509 = memref.load %arg1[%get3A_508] : memref<4096xf32, #tpu.memory_space<smem>>
      %get3A_510 = arith.index_cast %add3A_507 : i32 to index
      %get3A_511 = memref.load %arg2[%get3A_510] : memref<4096xf32, #tpu.memory_space<smem>>
      %sub3A_512 = vector.broadcast %get3A_509 : f32 to vector<16x384xf32>
      %sub3A_513 = arith.subf %add3A_7, %sub3A_512 : vector<16x384xf32>
      %sub3A_514 = vector.broadcast %get3A_511 : f32 to vector<16x384xf32>
      %sub3A_515 = arith.subf %add3A_11, %sub3A_514 : vector<16x384xf32>
      %mul3A_516 = arith.mulf %sub3A_513, %sub3A_513 : vector<16x384xf32>
      %mul3A_517 = arith.mulf %sub3A_515, %sub3A_515 : vector<16x384xf32>
      %add3A_518 = arith.addf %mul3A_516, %mul3A_517 : vector<16x384xf32>
      %lt3A_519 = arith.cmpf olt, %add3A_518, %min3A_505 : vector<16x384xf32>
      %add3A_520 = arith.constant 1 : i32
      %add3A_521 = arith.addi %add3A_507, %add3A_520 : i32
      %broadcast_in_dim3A_522 = vector.broadcast %add3A_521 : i32 to vector<16x384xi32>
      %select_n3A_523 = arith.select %lt3A_519, %broadcast_in_dim3A_522, %select_n3A_504 : vector<16x384xi1>, vector<16x384xi32>
      %min3A_524 = arith.minimumf %min3A_505, %add3A_518 : vector<16x384xf32>
      %add3A_525 = arith.constant 5 : i32
      %add3A_526 = arith.addi %mul3A_430, %add3A_525 : i32
      %get3A_527 = arith.index_cast %add3A_526 : i32 to index
      %get3A_528 = memref.load %arg1[%get3A_527] : memref<4096xf32, #tpu.memory_space<smem>>
      %get3A_529 = arith.index_cast %add3A_526 : i32 to index
      %get3A_530 = memref.load %arg2[%get3A_529] : memref<4096xf32, #tpu.memory_space<smem>>
      %sub3A_531 = vector.broadcast %get3A_528 : f32 to vector<16x384xf32>
      %sub3A_532 = arith.subf %add3A_7, %sub3A_531 : vector<16x384xf32>
      %sub3A_533 = vector.broadcast %get3A_530 : f32 to vector<16x384xf32>
      %sub3A_534 = arith.subf %add3A_11, %sub3A_533 : vector<16x384xf32>
      %mul3A_535 = arith.mulf %sub3A_532, %sub3A_532 : vector<16x384xf32>
      %mul3A_536 = arith.mulf %sub3A_534, %sub3A_534 : vector<16x384xf32>
      %add3A_537 = arith.addf %mul3A_535, %mul3A_536 : vector<16x384xf32>
      %lt3A_538 = arith.cmpf olt, %add3A_537, %min3A_524 : vector<16x384xf32>
      %add3A_539 = arith.constant 1 : i32
      %add3A_540 = arith.addi %add3A_526, %add3A_539 : i32
      %broadcast_in_dim3A_541 = vector.broadcast %add3A_540 : i32 to vector<16x384xi32>
      %select_n3A_542 = arith.select %lt3A_538, %broadcast_in_dim3A_541, %select_n3A_523 : vector<16x384xi1>, vector<16x384xi32>
      %min3A_543 = arith.minimumf %min3A_524, %add3A_537 : vector<16x384xf32>
      %add3A_544 = arith.constant 6 : i32
      %add3A_545 = arith.addi %mul3A_430, %add3A_544 : i32
      %get3A_546 = arith.index_cast %add3A_545 : i32 to index
      %get3A_547 = memref.load %arg1[%get3A_546] : memref<4096xf32, #tpu.memory_space<smem>>
      %get3A_548 = arith.index_cast %add3A_545 : i32 to index
      %get3A_549 = memref.load %arg2[%get3A_548] : memref<4096xf32, #tpu.memory_space<smem>>
      %sub3A_550 = vector.broadcast %get3A_547 : f32 to vector<16x384xf32>
      %sub3A_551 = arith.subf %add3A_7, %sub3A_550 : vector<16x384xf32>
      %sub3A_552 = vector.broadcast %get3A_549 : f32 to vector<16x384xf32>
      %sub3A_553 = arith.subf %add3A_11, %sub3A_552 : vector<16x384xf32>
      %mul3A_554 = arith.mulf %sub3A_551, %sub3A_551 : vector<16x384xf32>
      %mul3A_555 = arith.mulf %sub3A_553, %sub3A_553 : vector<16x384xf32>
      %add3A_556 = arith.addf %mul3A_554, %mul3A_555 : vector<16x384xf32>
      %lt3A_557 = arith.cmpf olt, %add3A_556, %min3A_543 : vector<16x384xf32>
      %add3A_558 = arith.constant 1 : i32
      %add3A_559 = arith.addi %add3A_545, %add3A_558 : i32
      %broadcast_in_dim3A_560 = vector.broadcast %add3A_559 : i32 to vector<16x384xi32>
      %select_n3A_561 = arith.select %lt3A_557, %broadcast_in_dim3A_560, %select_n3A_542 : vector<16x384xi1>, vector<16x384xi32>
      %min3A_562 = arith.minimumf %min3A_543, %add3A_556 : vector<16x384xf32>
      %add3A_563 = arith.constant 7 : i32
      %add3A_564 = arith.addi %mul3A_430, %add3A_563 : i32
      %get3A_565 = arith.index_cast %add3A_564 : i32 to index
      %get3A_566 = memref.load %arg1[%get3A_565] : memref<4096xf32, #tpu.memory_space<smem>>
      %get3A_567 = arith.index_cast %add3A_564 : i32 to index
      %get3A_568 = memref.load %arg2[%get3A_567] : memref<4096xf32, #tpu.memory_space<smem>>
      %sub3A_569 = vector.broadcast %get3A_566 : f32 to vector<16x384xf32>
      %sub3A_570 = arith.subf %add3A_7, %sub3A_569 : vector<16x384xf32>
      %sub3A_571 = vector.broadcast %get3A_568 : f32 to vector<16x384xf32>
      %sub3A_572 = arith.subf %add3A_11, %sub3A_571 : vector<16x384xf32>
      %mul3A_573 = arith.mulf %sub3A_570, %sub3A_570 : vector<16x384xf32>
      %mul3A_574 = arith.mulf %sub3A_572, %sub3A_572 : vector<16x384xf32>
      %add3A_575 = arith.addf %mul3A_573, %mul3A_574 : vector<16x384xf32>
      %lt3A_576 = arith.cmpf olt, %add3A_575, %min3A_562 : vector<16x384xf32>
      %add3A_577 = arith.constant 1 : i32
      %add3A_578 = arith.addi %add3A_564, %add3A_577 : i32
      %broadcast_in_dim3A_579 = vector.broadcast %add3A_578 : i32 to vector<16x384xi32>
      %select_n3A_580 = arith.select %lt3A_576, %broadcast_in_dim3A_579, %select_n3A_561 : vector<16x384xi1>, vector<16x384xi32>
      %min3A_581 = arith.minimumf %min3A_562, %add3A_575 : vector<16x384xf32>
      %add3A_582 = arith.constant 8 : i32
      %add3A_583 = arith.addi %mul3A_430, %add3A_582 : i32
      %get3A_584 = arith.index_cast %add3A_583 : i32 to index
      %get3A_585 = memref.load %arg1[%get3A_584] : memref<4096xf32, #tpu.memory_space<smem>>
      %get3A_586 = arith.index_cast %add3A_583 : i32 to index
      %get3A_587 = memref.load %arg2[%get3A_586] : memref<4096xf32, #tpu.memory_space<smem>>
      %sub3A_588 = vector.broadcast %get3A_585 : f32 to vector<16x384xf32>
      %sub3A_589 = arith.subf %add3A_7, %sub3A_588 : vector<16x384xf32>
      %sub3A_590 = vector.broadcast %get3A_587 : f32 to vector<16x384xf32>
      %sub3A_591 = arith.subf %add3A_11, %sub3A_590 : vector<16x384xf32>
      %mul3A_592 = arith.mulf %sub3A_589, %sub3A_589 : vector<16x384xf32>
      %mul3A_593 = arith.mulf %sub3A_591, %sub3A_591 : vector<16x384xf32>
      %add3A_594 = arith.addf %mul3A_592, %mul3A_593 : vector<16x384xf32>
      %lt3A_595 = arith.cmpf olt, %add3A_594, %min3A_581 : vector<16x384xf32>
      %add3A_596 = arith.constant 1 : i32
      %add3A_597 = arith.addi %add3A_583, %add3A_596 : i32
      %broadcast_in_dim3A_598 = vector.broadcast %add3A_597 : i32 to vector<16x384xi32>
      %select_n3A_599 = arith.select %lt3A_595, %broadcast_in_dim3A_598, %select_n3A_580 : vector<16x384xi1>, vector<16x384xi32>
      %min3A_600 = arith.minimumf %min3A_581, %add3A_594 : vector<16x384xf32>
      %add3A_601 = arith.constant 9 : i32
      %add3A_602 = arith.addi %mul3A_430, %add3A_601 : i32
      %get3A_603 = arith.index_cast %add3A_602 : i32 to index
      %get3A_604 = memref.load %arg1[%get3A_603] : memref<4096xf32, #tpu.memory_space<smem>>
      %get3A_605 = arith.index_cast %add3A_602 : i32 to index
      %get3A_606 = memref.load %arg2[%get3A_605] : memref<4096xf32, #tpu.memory_space<smem>>
      %sub3A_607 = vector.broadcast %get3A_604 : f32 to vector<16x384xf32>
      %sub3A_608 = arith.subf %add3A_7, %sub3A_607 : vector<16x384xf32>
      %sub3A_609 = vector.broadcast %get3A_606 : f32 to vector<16x384xf32>
      %sub3A_610 = arith.subf %add3A_11, %sub3A_609 : vector<16x384xf32>
      %mul3A_611 = arith.mulf %sub3A_608, %sub3A_608 : vector<16x384xf32>
      %mul3A_612 = arith.mulf %sub3A_610, %sub3A_610 : vector<16x384xf32>
      %add3A_613 = arith.addf %mul3A_611, %mul3A_612 : vector<16x384xf32>
      %lt3A_614 = arith.cmpf olt, %add3A_613, %min3A_600 : vector<16x384xf32>
      %add3A_615 = arith.constant 1 : i32
      %add3A_616 = arith.addi %add3A_602, %add3A_615 : i32
      %broadcast_in_dim3A_617 = vector.broadcast %add3A_616 : i32 to vector<16x384xi32>
      %select_n3A_618 = arith.select %lt3A_614, %broadcast_in_dim3A_617, %select_n3A_599 : vector<16x384xi1>, vector<16x384xi32>
      %min3A_619 = arith.minimumf %min3A_600, %add3A_613 : vector<16x384xf32>
      %add3A_620 = arith.constant 10 : i32
      %add3A_621 = arith.addi %mul3A_430, %add3A_620 : i32
      %get3A_622 = arith.index_cast %add3A_621 : i32 to index
      %get3A_623 = memref.load %arg1[%get3A_622] : memref<4096xf32, #tpu.memory_space<smem>>
      %get3A_624 = arith.index_cast %add3A_621 : i32 to index
      %get3A_625 = memref.load %arg2[%get3A_624] : memref<4096xf32, #tpu.memory_space<smem>>
      %sub3A_626 = vector.broadcast %get3A_623 : f32 to vector<16x384xf32>
      %sub3A_627 = arith.subf %add3A_7, %sub3A_626 : vector<16x384xf32>
      %sub3A_628 = vector.broadcast %get3A_625 : f32 to vector<16x384xf32>
      %sub3A_629 = arith.subf %add3A_11, %sub3A_628 : vector<16x384xf32>
      %mul3A_630 = arith.mulf %sub3A_627, %sub3A_627 : vector<16x384xf32>
      %mul3A_631 = arith.mulf %sub3A_629, %sub3A_629 : vector<16x384xf32>
      %add3A_632 = arith.addf %mul3A_630, %mul3A_631 : vector<16x384xf32>
      %lt3A_633 = arith.cmpf olt, %add3A_632, %min3A_619 : vector<16x384xf32>
      %add3A_634 = arith.constant 1 : i32
      %add3A_635 = arith.addi %add3A_621, %add3A_634 : i32
      %broadcast_in_dim3A_636 = vector.broadcast %add3A_635 : i32 to vector<16x384xi32>
      %select_n3A_637 = arith.select %lt3A_633, %broadcast_in_dim3A_636, %select_n3A_618 : vector<16x384xi1>, vector<16x384xi32>
      %min3A_638 = arith.minimumf %min3A_619, %add3A_632 : vector<16x384xf32>
      %add3A_639 = arith.constant 11 : i32
      %add3A_640 = arith.addi %mul3A_430, %add3A_639 : i32
      %get3A_641 = arith.index_cast %add3A_640 : i32 to index
      %get3A_642 = memref.load %arg1[%get3A_641] : memref<4096xf32, #tpu.memory_space<smem>>
      %get3A_643 = arith.index_cast %add3A_640 : i32 to index
      %get3A_644 = memref.load %arg2[%get3A_643] : memref<4096xf32, #tpu.memory_space<smem>>
      %sub3A_645 = vector.broadcast %get3A_642 : f32 to vector<16x384xf32>
      %sub3A_646 = arith.subf %add3A_7, %sub3A_645 : vector<16x384xf32>
      %sub3A_647 = vector.broadcast %get3A_644 : f32 to vector<16x384xf32>
      %sub3A_648 = arith.subf %add3A_11, %sub3A_647 : vector<16x384xf32>
      %mul3A_649 = arith.mulf %sub3A_646, %sub3A_646 : vector<16x384xf32>
      %mul3A_650 = arith.mulf %sub3A_648, %sub3A_648 : vector<16x384xf32>
      %add3A_651 = arith.addf %mul3A_649, %mul3A_650 : vector<16x384xf32>
      %lt3A_652 = arith.cmpf olt, %add3A_651, %min3A_638 : vector<16x384xf32>
      %add3A_653 = arith.constant 1 : i32
      %add3A_654 = arith.addi %add3A_640, %add3A_653 : i32
      %broadcast_in_dim3A_655 = vector.broadcast %add3A_654 : i32 to vector<16x384xi32>
      %select_n3A_656 = arith.select %lt3A_652, %broadcast_in_dim3A_655, %select_n3A_637 : vector<16x384xi1>, vector<16x384xi32>
      %min3A_657 = arith.minimumf %min3A_638, %add3A_651 : vector<16x384xf32>
      %add3A_658 = arith.constant 12 : i32
      %add3A_659 = arith.addi %mul3A_430, %add3A_658 : i32
      %get3A_660 = arith.index_cast %add3A_659 : i32 to index
      %get3A_661 = memref.load %arg1[%get3A_660] : memref<4096xf32, #tpu.memory_space<smem>>
      %get3A_662 = arith.index_cast %add3A_659 : i32 to index
      %get3A_663 = memref.load %arg2[%get3A_662] : memref<4096xf32, #tpu.memory_space<smem>>
      %sub3A_664 = vector.broadcast %get3A_661 : f32 to vector<16x384xf32>
      %sub3A_665 = arith.subf %add3A_7, %sub3A_664 : vector<16x384xf32>
      %sub3A_666 = vector.broadcast %get3A_663 : f32 to vector<16x384xf32>
      %sub3A_667 = arith.subf %add3A_11, %sub3A_666 : vector<16x384xf32>
      %mul3A_668 = arith.mulf %sub3A_665, %sub3A_665 : vector<16x384xf32>
      %mul3A_669 = arith.mulf %sub3A_667, %sub3A_667 : vector<16x384xf32>
      %add3A_670 = arith.addf %mul3A_668, %mul3A_669 : vector<16x384xf32>
      %lt3A_671 = arith.cmpf olt, %add3A_670, %min3A_657 : vector<16x384xf32>
      %add3A_672 = arith.constant 1 : i32
      %add3A_673 = arith.addi %add3A_659, %add3A_672 : i32
      %broadcast_in_dim3A_674 = vector.broadcast %add3A_673 : i32 to vector<16x384xi32>
      %select_n3A_675 = arith.select %lt3A_671, %broadcast_in_dim3A_674, %select_n3A_656 : vector<16x384xi1>, vector<16x384xi32>
      %min3A_676 = arith.minimumf %min3A_657, %add3A_670 : vector<16x384xf32>
      %add3A_677 = arith.constant 13 : i32
      %add3A_678 = arith.addi %mul3A_430, %add3A_677 : i32
      %get3A_679 = arith.index_cast %add3A_678 : i32 to index
      %get3A_680 = memref.load %arg1[%get3A_679] : memref<4096xf32, #tpu.memory_space<smem>>
      %get3A_681 = arith.index_cast %add3A_678 : i32 to index
      %get3A_682 = memref.load %arg2[%get3A_681] : memref<4096xf32, #tpu.memory_space<smem>>
      %sub3A_683 = vector.broadcast %get3A_680 : f32 to vector<16x384xf32>
      %sub3A_684 = arith.subf %add3A_7, %sub3A_683 : vector<16x384xf32>
      %sub3A_685 = vector.broadcast %get3A_682 : f32 to vector<16x384xf32>
      %sub3A_686 = arith.subf %add3A_11, %sub3A_685 : vector<16x384xf32>
      %mul3A_687 = arith.mulf %sub3A_684, %sub3A_684 : vector<16x384xf32>
      %mul3A_688 = arith.mulf %sub3A_686, %sub3A_686 : vector<16x384xf32>
      %add3A_689 = arith.addf %mul3A_687, %mul3A_688 : vector<16x384xf32>
      %lt3A_690 = arith.cmpf olt, %add3A_689, %min3A_676 : vector<16x384xf32>
      %add3A_691 = arith.constant 1 : i32
      %add3A_692 = arith.addi %add3A_678, %add3A_691 : i32
      %broadcast_in_dim3A_693 = vector.broadcast %add3A_692 : i32 to vector<16x384xi32>
      %select_n3A_694 = arith.select %lt3A_690, %broadcast_in_dim3A_693, %select_n3A_675 : vector<16x384xi1>, vector<16x384xi32>
      %min3A_695 = arith.minimumf %min3A_676, %add3A_689 : vector<16x384xf32>
      %add3A_696 = arith.constant 14 : i32
      %add3A_697 = arith.addi %mul3A_430, %add3A_696 : i32
      %get3A_698 = arith.index_cast %add3A_697 : i32 to index
      %get3A_699 = memref.load %arg1[%get3A_698] : memref<4096xf32, #tpu.memory_space<smem>>
      %get3A_700 = arith.index_cast %add3A_697 : i32 to index
      %get3A_701 = memref.load %arg2[%get3A_700] : memref<4096xf32, #tpu.memory_space<smem>>
      %sub3A_702 = vector.broadcast %get3A_699 : f32 to vector<16x384xf32>
      %sub3A_703 = arith.subf %add3A_7, %sub3A_702 : vector<16x384xf32>
      %sub3A_704 = vector.broadcast %get3A_701 : f32 to vector<16x384xf32>
      %sub3A_705 = arith.subf %add3A_11, %sub3A_704 : vector<16x384xf32>
      %mul3A_706 = arith.mulf %sub3A_703, %sub3A_703 : vector<16x384xf32>
      %mul3A_707 = arith.mulf %sub3A_705, %sub3A_705 : vector<16x384xf32>
      %add3A_708 = arith.addf %mul3A_706, %mul3A_707 : vector<16x384xf32>
      %lt3A_709 = arith.cmpf olt, %add3A_708, %min3A_695 : vector<16x384xf32>
      %add3A_710 = arith.constant 1 : i32
      %add3A_711 = arith.addi %add3A_697, %add3A_710 : i32
      %broadcast_in_dim3A_712 = vector.broadcast %add3A_711 : i32 to vector<16x384xi32>
      %select_n3A_713 = arith.select %lt3A_709, %broadcast_in_dim3A_712, %select_n3A_694 : vector<16x384xi1>, vector<16x384xi32>
      %min3A_714 = arith.minimumf %min3A_695, %add3A_708 : vector<16x384xf32>
      %add3A_715 = arith.constant 15 : i32
      %add3A_716 = arith.addi %mul3A_430, %add3A_715 : i32
      %get3A_717 = arith.index_cast %add3A_716 : i32 to index
      %get3A_718 = memref.load %arg1[%get3A_717] : memref<4096xf32, #tpu.memory_space<smem>>
      %get3A_719 = arith.index_cast %add3A_716 : i32 to index
      %get3A_720 = memref.load %arg2[%get3A_719] : memref<4096xf32, #tpu.memory_space<smem>>
      %sub3A_721 = vector.broadcast %get3A_718 : f32 to vector<16x384xf32>
      %sub3A_722 = arith.subf %add3A_7, %sub3A_721 : vector<16x384xf32>
      %sub3A_723 = vector.broadcast %get3A_720 : f32 to vector<16x384xf32>
      %sub3A_724 = arith.subf %add3A_11, %sub3A_723 : vector<16x384xf32>
      %mul3A_725 = arith.mulf %sub3A_722, %sub3A_722 : vector<16x384xf32>
      %mul3A_726 = arith.mulf %sub3A_724, %sub3A_724 : vector<16x384xf32>
      %add3A_727 = arith.addf %mul3A_725, %mul3A_726 : vector<16x384xf32>
      %lt3A_728 = arith.cmpf olt, %add3A_727, %min3A_714 : vector<16x384xf32>
      %add3A_729 = arith.constant 1 : i32
      %add3A_730 = arith.addi %add3A_716, %add3A_729 : i32
      %broadcast_in_dim3A_731 = vector.broadcast %add3A_730 : i32 to vector<16x384xi32>
      %select_n3A_732 = arith.select %lt3A_728, %broadcast_in_dim3A_731, %select_n3A_713 : vector<16x384xi1>, vector<16x384xi32>
      %min3A_733 = arith.minimumf %min3A_714, %add3A_727 : vector<16x384xf32>
      scf.yield %min3A_733, %select_n3A_732 : vector<16x384xf32>, vector<16x384xi32>
    }
    %while3A_401 = arith.constant 1 : i32
    %while3A_402:2 = scf.for %while3A_426 = %while3A_398 to %while3A_394 step %while3A_401 iter_args(%while3A_427 = %while3A_400#0, %while3A_428 = %while3A_400#1) -> (vector<16x384xf32>, vector<16x384xi32>)  : i32 {
      %mul3A_429 = arith.constant 16 : i32
      %mul3A_430 = arith.muli %while3A_426, %mul3A_429 : i32
      %add3A_431 = arith.constant 0 : i32
      %add3A_432 = arith.addi %mul3A_430, %add3A_431 : i32
      %get3A_433 = arith.index_cast %add3A_432 : i32 to index
      %get3A_434 = memref.load %arg1[%get3A_433] : memref<4096xf32, #tpu.memory_space<smem>>
      %get3A_435 = arith.index_cast %add3A_432 : i32 to index
      %get3A_436 = memref.load %arg2[%get3A_435] : memref<4096xf32, #tpu.memory_space<smem>>
      %sub3A_437 = vector.broadcast %get3A_434 : f32 to vector<16x384xf32>
      %sub3A_438 = arith.subf %add3A_7, %sub3A_437 : vector<16x384xf32>
      %sub3A_439 = vector.broadcast %get3A_436 : f32 to vector<16x384xf32>
      %sub3A_440 = arith.subf %add3A_11, %sub3A_439 : vector<16x384xf32>
      %mul3A_441 = arith.mulf %sub3A_438, %sub3A_438 : vector<16x384xf32>
      %mul3A_442 = arith.mulf %sub3A_440, %sub3A_440 : vector<16x384xf32>
      %add3A_443 = arith.addf %mul3A_441, %mul3A_442 : vector<16x384xf32>
      %lt3A_444 = arith.cmpf olt, %add3A_443, %while3A_427 : vector<16x384xf32>
      %add3A_445 = arith.constant 1 : i32
      %add3A_446 = arith.addi %add3A_432, %add3A_445 : i32
      %broadcast_in_dim3A_447 = vector.broadcast %add3A_446 : i32 to vector<16x384xi32>
      %select_n3A_448 = arith.select %lt3A_444, %broadcast_in_dim3A_447, %while3A_428 : vector<16x384xi1>, vector<16x384xi32>
      %min3A = arith.minimumf %while3A_427, %add3A_443 : vector<16x384xf32>
      %add3A_449 = arith.constant 1 : i32
      %add3A_450 = arith.addi %mul3A_430, %add3A_449 : i32
      %get3A_451 = arith.index_cast %add3A_450 : i32 to index
      %get3A_452 = memref.load %arg1[%get3A_451] : memref<4096xf32, #tpu.memory_space<smem>>
      %get3A_453 = arith.index_cast %add3A_450 : i32 to index
      %get3A_454 = memref.load %arg2[%get3A_453] : memref<4096xf32, #tpu.memory_space<smem>>
      %sub3A_455 = vector.broadcast %get3A_452 : f32 to vector<16x384xf32>
      %sub3A_456 = arith.subf %add3A_7, %sub3A_455 : vector<16x384xf32>
      %sub3A_457 = vector.broadcast %get3A_454 : f32 to vector<16x384xf32>
      %sub3A_458 = arith.subf %add3A_11, %sub3A_457 : vector<16x384xf32>
      %mul3A_459 = arith.mulf %sub3A_456, %sub3A_456 : vector<16x384xf32>
      %mul3A_460 = arith.mulf %sub3A_458, %sub3A_458 : vector<16x384xf32>
      %add3A_461 = arith.addf %mul3A_459, %mul3A_460 : vector<16x384xf32>
      %lt3A_462 = arith.cmpf olt, %add3A_461, %min3A : vector<16x384xf32>
      %add3A_463 = arith.constant 1 : i32
      %add3A_464 = arith.addi %add3A_450, %add3A_463 : i32
      %broadcast_in_dim3A_465 = vector.broadcast %add3A_464 : i32 to vector<16x384xi32>
      %select_n3A_466 = arith.select %lt3A_462, %broadcast_in_dim3A_465, %select_n3A_448 : vector<16x384xi1>, vector<16x384xi32>
      %min3A_467 = arith.minimumf %min3A, %add3A_461 : vector<16x384xf32>
      %add3A_468 = arith.constant 2 : i32
      %add3A_469 = arith.addi %mul3A_430, %add3A_468 : i32
      %get3A_470 = arith.index_cast %add3A_469 : i32 to index
      %get3A_471 = memref.load %arg1[%get3A_470] : memref<4096xf32, #tpu.memory_space<smem>>
      %get3A_472 = arith.index_cast %add3A_469 : i32 to index
      %get3A_473 = memref.load %arg2[%get3A_472] : memref<4096xf32, #tpu.memory_space<smem>>
      %sub3A_474 = vector.broadcast %get3A_471 : f32 to vector<16x384xf32>
      %sub3A_475 = arith.subf %add3A_7, %sub3A_474 : vector<16x384xf32>
      %sub3A_476 = vector.broadcast %get3A_473 : f32 to vector<16x384xf32>
      %sub3A_477 = arith.subf %add3A_11, %sub3A_476 : vector<16x384xf32>
      %mul3A_478 = arith.mulf %sub3A_475, %sub3A_475 : vector<16x384xf32>
      %mul3A_479 = arith.mulf %sub3A_477, %sub3A_477 : vector<16x384xf32>
      %add3A_480 = arith.addf %mul3A_478, %mul3A_479 : vector<16x384xf32>
      %lt3A_481 = arith.cmpf olt, %add3A_480, %min3A_467 : vector<16x384xf32>
      %add3A_482 = arith.constant 1 : i32
      %add3A_483 = arith.addi %add3A_469, %add3A_482 : i32
      %broadcast_in_dim3A_484 = vector.broadcast %add3A_483 : i32 to vector<16x384xi32>
      %select_n3A_485 = arith.select %lt3A_481, %broadcast_in_dim3A_484, %select_n3A_466 : vector<16x384xi1>, vector<16x384xi32>
      %min3A_486 = arith.minimumf %min3A_467, %add3A_480 : vector<16x384xf32>
      %add3A_487 = arith.constant 3 : i32
      %add3A_488 = arith.addi %mul3A_430, %add3A_487 : i32
      %get3A_489 = arith.index_cast %add3A_488 : i32 to index
      %get3A_490 = memref.load %arg1[%get3A_489] : memref<4096xf32, #tpu.memory_space<smem>>
      %get3A_491 = arith.index_cast %add3A_488 : i32 to index
      %get3A_492 = memref.load %arg2[%get3A_491] : memref<4096xf32, #tpu.memory_space<smem>>
      %sub3A_493 = vector.broadcast %get3A_490 : f32 to vector<16x384xf32>
      %sub3A_494 = arith.subf %add3A_7, %sub3A_493 : vector<16x384xf32>
      %sub3A_495 = vector.broadcast %get3A_492 : f32 to vector<16x384xf32>
      %sub3A_496 = arith.subf %add3A_11, %sub3A_495 : vector<16x384xf32>
      %mul3A_497 = arith.mulf %sub3A_494, %sub3A_494 : vector<16x384xf32>
      %mul3A_498 = arith.mulf %sub3A_496, %sub3A_496 : vector<16x384xf32>
      %add3A_499 = arith.addf %mul3A_497, %mul3A_498 : vector<16x384xf32>
      %lt3A_500 = arith.cmpf olt, %add3A_499, %min3A_486 : vector<16x384xf32>
      %add3A_501 = arith.constant 1 : i32
      %add3A_502 = arith.addi %add3A_488, %add3A_501 : i32
      %broadcast_in_dim3A_503 = vector.broadcast %add3A_502 : i32 to vector<16x384xi32>
      %select_n3A_504 = arith.select %lt3A_500, %broadcast_in_dim3A_503, %select_n3A_485 : vector<16x384xi1>, vector<16x384xi32>
      %min3A_505 = arith.minimumf %min3A_486, %add3A_499 : vector<16x384xf32>
      %add3A_506 = arith.constant 4 : i32
      %add3A_507 = arith.addi %mul3A_430, %add3A_506 : i32
      %get3A_508 = arith.index_cast %add3A_507 : i32 to index
      %get3A_509 = memref.load %arg1[%get3A_508] : memref<4096xf32, #tpu.memory_space<smem>>
      %get3A_510 = arith.index_cast %add3A_507 : i32 to index
      %get3A_511 = memref.load %arg2[%get3A_510] : memref<4096xf32, #tpu.memory_space<smem>>
      %sub3A_512 = vector.broadcast %get3A_509 : f32 to vector<16x384xf32>
      %sub3A_513 = arith.subf %add3A_7, %sub3A_512 : vector<16x384xf32>
      %sub3A_514 = vector.broadcast %get3A_511 : f32 to vector<16x384xf32>
      %sub3A_515 = arith.subf %add3A_11, %sub3A_514 : vector<16x384xf32>
      %mul3A_516 = arith.mulf %sub3A_513, %sub3A_513 : vector<16x384xf32>
      %mul3A_517 = arith.mulf %sub3A_515, %sub3A_515 : vector<16x384xf32>
      %add3A_518 = arith.addf %mul3A_516, %mul3A_517 : vector<16x384xf32>
      %lt3A_519 = arith.cmpf olt, %add3A_518, %min3A_505 : vector<16x384xf32>
      %add3A_520 = arith.constant 1 : i32
      %add3A_521 = arith.addi %add3A_507, %add3A_520 : i32
      %broadcast_in_dim3A_522 = vector.broadcast %add3A_521 : i32 to vector<16x384xi32>
      %select_n3A_523 = arith.select %lt3A_519, %broadcast_in_dim3A_522, %select_n3A_504 : vector<16x384xi1>, vector<16x384xi32>
      %min3A_524 = arith.minimumf %min3A_505, %add3A_518 : vector<16x384xf32>
      %add3A_525 = arith.constant 5 : i32
      %add3A_526 = arith.addi %mul3A_430, %add3A_525 : i32
      %get3A_527 = arith.index_cast %add3A_526 : i32 to index
      %get3A_528 = memref.load %arg1[%get3A_527] : memref<4096xf32, #tpu.memory_space<smem>>
      %get3A_529 = arith.index_cast %add3A_526 : i32 to index
      %get3A_530 = memref.load %arg2[%get3A_529] : memref<4096xf32, #tpu.memory_space<smem>>
      %sub3A_531 = vector.broadcast %get3A_528 : f32 to vector<16x384xf32>
      %sub3A_532 = arith.subf %add3A_7, %sub3A_531 : vector<16x384xf32>
      %sub3A_533 = vector.broadcast %get3A_530 : f32 to vector<16x384xf32>
      %sub3A_534 = arith.subf %add3A_11, %sub3A_533 : vector<16x384xf32>
      %mul3A_535 = arith.mulf %sub3A_532, %sub3A_532 : vector<16x384xf32>
      %mul3A_536 = arith.mulf %sub3A_534, %sub3A_534 : vector<16x384xf32>
      %add3A_537 = arith.addf %mul3A_535, %mul3A_536 : vector<16x384xf32>
      %lt3A_538 = arith.cmpf olt, %add3A_537, %min3A_524 : vector<16x384xf32>
      %add3A_539 = arith.constant 1 : i32
      %add3A_540 = arith.addi %add3A_526, %add3A_539 : i32
      %broadcast_in_dim3A_541 = vector.broadcast %add3A_540 : i32 to vector<16x384xi32>
      %select_n3A_542 = arith.select %lt3A_538, %broadcast_in_dim3A_541, %select_n3A_523 : vector<16x384xi1>, vector<16x384xi32>
      %min3A_543 = arith.minimumf %min3A_524, %add3A_537 : vector<16x384xf32>
      %add3A_544 = arith.constant 6 : i32
      %add3A_545 = arith.addi %mul3A_430, %add3A_544 : i32
      %get3A_546 = arith.index_cast %add3A_545 : i32 to index
      %get3A_547 = memref.load %arg1[%get3A_546] : memref<4096xf32, #tpu.memory_space<smem>>
      %get3A_548 = arith.index_cast %add3A_545 : i32 to index
      %get3A_549 = memref.load %arg2[%get3A_548] : memref<4096xf32, #tpu.memory_space<smem>>
      %sub3A_550 = vector.broadcast %get3A_547 : f32 to vector<16x384xf32>
      %sub3A_551 = arith.subf %add3A_7, %sub3A_550 : vector<16x384xf32>
      %sub3A_552 = vector.broadcast %get3A_549 : f32 to vector<16x384xf32>
      %sub3A_553 = arith.subf %add3A_11, %sub3A_552 : vector<16x384xf32>
      %mul3A_554 = arith.mulf %sub3A_551, %sub3A_551 : vector<16x384xf32>
      %mul3A_555 = arith.mulf %sub3A_553, %sub3A_553 : vector<16x384xf32>
      %add3A_556 = arith.addf %mul3A_554, %mul3A_555 : vector<16x384xf32>
      %lt3A_557 = arith.cmpf olt, %add3A_556, %min3A_543 : vector<16x384xf32>
      %add3A_558 = arith.constant 1 : i32
      %add3A_559 = arith.addi %add3A_545, %add3A_558 : i32
      %broadcast_in_dim3A_560 = vector.broadcast %add3A_559 : i32 to vector<16x384xi32>
      %select_n3A_561 = arith.select %lt3A_557, %broadcast_in_dim3A_560, %select_n3A_542 : vector<16x384xi1>, vector<16x384xi32>
      %min3A_562 = arith.minimumf %min3A_543, %add3A_556 : vector<16x384xf32>
      %add3A_563 = arith.constant 7 : i32
      %add3A_564 = arith.addi %mul3A_430, %add3A_563 : i32
      %get3A_565 = arith.index_cast %add3A_564 : i32 to index
      %get3A_566 = memref.load %arg1[%get3A_565] : memref<4096xf32, #tpu.memory_space<smem>>
      %get3A_567 = arith.index_cast %add3A_564 : i32 to index
      %get3A_568 = memref.load %arg2[%get3A_567] : memref<4096xf32, #tpu.memory_space<smem>>
      %sub3A_569 = vector.broadcast %get3A_566 : f32 to vector<16x384xf32>
      %sub3A_570 = arith.subf %add3A_7, %sub3A_569 : vector<16x384xf32>
      %sub3A_571 = vector.broadcast %get3A_568 : f32 to vector<16x384xf32>
      %sub3A_572 = arith.subf %add3A_11, %sub3A_571 : vector<16x384xf32>
      %mul3A_573 = arith.mulf %sub3A_570, %sub3A_570 : vector<16x384xf32>
      %mul3A_574 = arith.mulf %sub3A_572, %sub3A_572 : vector<16x384xf32>
      %add3A_575 = arith.addf %mul3A_573, %mul3A_574 : vector<16x384xf32>
      %lt3A_576 = arith.cmpf olt, %add3A_575, %min3A_562 : vector<16x384xf32>
      %add3A_577 = arith.constant 1 : i32
      %add3A_578 = arith.addi %add3A_564, %add3A_577 : i32
      %broadcast_in_dim3A_579 = vector.broadcast %add3A_578 : i32 to vector<16x384xi32>
      %select_n3A_580 = arith.select %lt3A_576, %broadcast_in_dim3A_579, %select_n3A_561 : vector<16x384xi1>, vector<16x384xi32>
      %min3A_581 = arith.minimumf %min3A_562, %add3A_575 : vector<16x384xf32>
      %add3A_582 = arith.constant 8 : i32
      %add3A_583 = arith.addi %mul3A_430, %add3A_582 : i32
      %get3A_584 = arith.index_cast %add3A_583 : i32 to index
      %get3A_585 = memref.load %arg1[%get3A_584] : memref<4096xf32, #tpu.memory_space<smem>>
      %get3A_586 = arith.index_cast %add3A_583 : i32 to index
      %get3A_587 = memref.load %arg2[%get3A_586] : memref<4096xf32, #tpu.memory_space<smem>>
      %sub3A_588 = vector.broadcast %get3A_585 : f32 to vector<16x384xf32>
      %sub3A_589 = arith.subf %add3A_7, %sub3A_588 : vector<16x384xf32>
      %sub3A_590 = vector.broadcast %get3A_587 : f32 to vector<16x384xf32>
      %sub3A_591 = arith.subf %add3A_11, %sub3A_590 : vector<16x384xf32>
      %mul3A_592 = arith.mulf %sub3A_589, %sub3A_589 : vector<16x384xf32>
      %mul3A_593 = arith.mulf %sub3A_591, %sub3A_591 : vector<16x384xf32>
      %add3A_594 = arith.addf %mul3A_592, %mul3A_593 : vector<16x384xf32>
      %lt3A_595 = arith.cmpf olt, %add3A_594, %min3A_581 : vector<16x384xf32>
      %add3A_596 = arith.constant 1 : i32
      %add3A_597 = arith.addi %add3A_583, %add3A_596 : i32
      %broadcast_in_dim3A_598 = vector.broadcast %add3A_597 : i32 to vector<16x384xi32>
      %select_n3A_599 = arith.select %lt3A_595, %broadcast_in_dim3A_598, %select_n3A_580 : vector<16x384xi1>, vector<16x384xi32>
      %min3A_600 = arith.minimumf %min3A_581, %add3A_594 : vector<16x384xf32>
      %add3A_601 = arith.constant 9 : i32
      %add3A_602 = arith.addi %mul3A_430, %add3A_601 : i32
      %get3A_603 = arith.index_cast %add3A_602 : i32 to index
      %get3A_604 = memref.load %arg1[%get3A_603] : memref<4096xf32, #tpu.memory_space<smem>>
      %get3A_605 = arith.index_cast %add3A_602 : i32 to index
      %get3A_606 = memref.load %arg2[%get3A_605] : memref<4096xf32, #tpu.memory_space<smem>>
      %sub3A_607 = vector.broadcast %get3A_604 : f32 to vector<16x384xf32>
      %sub3A_608 = arith.subf %add3A_7, %sub3A_607 : vector<16x384xf32>
      %sub3A_609 = vector.broadcast %get3A_606 : f32 to vector<16x384xf32>
      %sub3A_610 = arith.subf %add3A_11, %sub3A_609 : vector<16x384xf32>
      %mul3A_611 = arith.mulf %sub3A_608, %sub3A_608 : vector<16x384xf32>
      %mul3A_612 = arith.mulf %sub3A_610, %sub3A_610 : vector<16x384xf32>
      %add3A_613 = arith.addf %mul3A_611, %mul3A_612 : vector<16x384xf32>
      %lt3A_614 = arith.cmpf olt, %add3A_613, %min3A_600 : vector<16x384xf32>
      %add3A_615 = arith.constant 1 : i32
      %add3A_616 = arith.addi %add3A_602, %add3A_615 : i32
      %broadcast_in_dim3A_617 = vector.broadcast %add3A_616 : i32 to vector<16x384xi32>
      %select_n3A_618 = arith.select %lt3A_614, %broadcast_in_dim3A_617, %select_n3A_599 : vector<16x384xi1>, vector<16x384xi32>
      %min3A_619 = arith.minimumf %min3A_600, %add3A_613 : vector<16x384xf32>
      %add3A_620 = arith.constant 10 : i32
      %add3A_621 = arith.addi %mul3A_430, %add3A_620 : i32
      %get3A_622 = arith.index_cast %add3A_621 : i32 to index
      %get3A_623 = memref.load %arg1[%get3A_622] : memref<4096xf32, #tpu.memory_space<smem>>
      %get3A_624 = arith.index_cast %add3A_621 : i32 to index
      %get3A_625 = memref.load %arg2[%get3A_624] : memref<4096xf32, #tpu.memory_space<smem>>
      %sub3A_626 = vector.broadcast %get3A_623 : f32 to vector<16x384xf32>
      %sub3A_627 = arith.subf %add3A_7, %sub3A_626 : vector<16x384xf32>
      %sub3A_628 = vector.broadcast %get3A_625 : f32 to vector<16x384xf32>
      %sub3A_629 = arith.subf %add3A_11, %sub3A_628 : vector<16x384xf32>
      %mul3A_630 = arith.mulf %sub3A_627, %sub3A_627 : vector<16x384xf32>
      %mul3A_631 = arith.mulf %sub3A_629, %sub3A_629 : vector<16x384xf32>
      %add3A_632 = arith.addf %mul3A_630, %mul3A_631 : vector<16x384xf32>
      %lt3A_633 = arith.cmpf olt, %add3A_632, %min3A_619 : vector<16x384xf32>
      %add3A_634 = arith.constant 1 : i32
      %add3A_635 = arith.addi %add3A_621, %add3A_634 : i32
      %broadcast_in_dim3A_636 = vector.broadcast %add3A_635 : i32 to vector<16x384xi32>
      %select_n3A_637 = arith.select %lt3A_633, %broadcast_in_dim3A_636, %select_n3A_618 : vector<16x384xi1>, vector<16x384xi32>
      %min3A_638 = arith.minimumf %min3A_619, %add3A_632 : vector<16x384xf32>
      %add3A_639 = arith.constant 11 : i32
      %add3A_640 = arith.addi %mul3A_430, %add3A_639 : i32
      %get3A_641 = arith.index_cast %add3A_640 : i32 to index
      %get3A_642 = memref.load %arg1[%get3A_641] : memref<4096xf32, #tpu.memory_space<smem>>
      %get3A_643 = arith.index_cast %add3A_640 : i32 to index
      %get3A_644 = memref.load %arg2[%get3A_643] : memref<4096xf32, #tpu.memory_space<smem>>
      %sub3A_645 = vector.broadcast %get3A_642 : f32 to vector<16x384xf32>
      %sub3A_646 = arith.subf %add3A_7, %sub3A_645 : vector<16x384xf32>
      %sub3A_647 = vector.broadcast %get3A_644 : f32 to vector<16x384xf32>
      %sub3A_648 = arith.subf %add3A_11, %sub3A_647 : vector<16x384xf32>
      %mul3A_649 = arith.mulf %sub3A_646, %sub3A_646 : vector<16x384xf32>
      %mul3A_650 = arith.mulf %sub3A_648, %sub3A_648 : vector<16x384xf32>
      %add3A_651 = arith.addf %mul3A_649, %mul3A_650 : vector<16x384xf32>
      %lt3A_652 = arith.cmpf olt, %add3A_651, %min3A_638 : vector<16x384xf32>
      %add3A_653 = arith.constant 1 : i32
      %add3A_654 = arith.addi %add3A_640, %add3A_653 : i32
      %broadcast_in_dim3A_655 = vector.broadcast %add3A_654 : i32 to vector<16x384xi32>
      %select_n3A_656 = arith.select %lt3A_652, %broadcast_in_dim3A_655, %select_n3A_637 : vector<16x384xi1>, vector<16x384xi32>
      %min3A_657 = arith.minimumf %min3A_638, %add3A_651 : vector<16x384xf32>
      %add3A_658 = arith.constant 12 : i32
      %add3A_659 = arith.addi %mul3A_430, %add3A_658 : i32
      %get3A_660 = arith.index_cast %add3A_659 : i32 to index
      %get3A_661 = memref.load %arg1[%get3A_660] : memref<4096xf32, #tpu.memory_space<smem>>
      %get3A_662 = arith.index_cast %add3A_659 : i32 to index
      %get3A_663 = memref.load %arg2[%get3A_662] : memref<4096xf32, #tpu.memory_space<smem>>
      %sub3A_664 = vector.broadcast %get3A_661 : f32 to vector<16x384xf32>
      %sub3A_665 = arith.subf %add3A_7, %sub3A_664 : vector<16x384xf32>
      %sub3A_666 = vector.broadcast %get3A_663 : f32 to vector<16x384xf32>
      %sub3A_667 = arith.subf %add3A_11, %sub3A_666 : vector<16x384xf32>
      %mul3A_668 = arith.mulf %sub3A_665, %sub3A_665 : vector<16x384xf32>
      %mul3A_669 = arith.mulf %sub3A_667, %sub3A_667 : vector<16x384xf32>
      %add3A_670 = arith.addf %mul3A_668, %mul3A_669 : vector<16x384xf32>
      %lt3A_671 = arith.cmpf olt, %add3A_670, %min3A_657 : vector<16x384xf32>
      %add3A_672 = arith.constant 1 : i32
      %add3A_673 = arith.addi %add3A_659, %add3A_672 : i32
      %broadcast_in_dim3A_674 = vector.broadcast %add3A_673 : i32 to vector<16x384xi32>
      %select_n3A_675 = arith.select %lt3A_671, %broadcast_in_dim3A_674, %select_n3A_656 : vector<16x384xi1>, vector<16x384xi32>
      %min3A_676 = arith.minimumf %min3A_657, %add3A_670 : vector<16x384xf32>
      %add3A_677 = arith.constant 13 : i32
      %add3A_678 = arith.addi %mul3A_430, %add3A_677 : i32
      %get3A_679 = arith.index_cast %add3A_678 : i32 to index
      %get3A_680 = memref.load %arg1[%get3A_679] : memref<4096xf32, #tpu.memory_space<smem>>
      %get3A_681 = arith.index_cast %add3A_678 : i32 to index
      %get3A_682 = memref.load %arg2[%get3A_681] : memref<4096xf32, #tpu.memory_space<smem>>
      %sub3A_683 = vector.broadcast %get3A_680 : f32 to vector<16x384xf32>
      %sub3A_684 = arith.subf %add3A_7, %sub3A_683 : vector<16x384xf32>
      %sub3A_685 = vector.broadcast %get3A_682 : f32 to vector<16x384xf32>
      %sub3A_686 = arith.subf %add3A_11, %sub3A_685 : vector<16x384xf32>
      %mul3A_687 = arith.mulf %sub3A_684, %sub3A_684 : vector<16x384xf32>
      %mul3A_688 = arith.mulf %sub3A_686, %sub3A_686 : vector<16x384xf32>
      %add3A_689 = arith.addf %mul3A_687, %mul3A_688 : vector<16x384xf32>
      %lt3A_690 = arith.cmpf olt, %add3A_689, %min3A_676 : vector<16x384xf32>
      %add3A_691 = arith.constant 1 : i32
      %add3A_692 = arith.addi %add3A_678, %add3A_691 : i32
      %broadcast_in_dim3A_693 = vector.broadcast %add3A_692 : i32 to vector<16x384xi32>
      %select_n3A_694 = arith.select %lt3A_690, %broadcast_in_dim3A_693, %select_n3A_675 : vector<16x384xi1>, vector<16x384xi32>
      %min3A_695 = arith.minimumf %min3A_676, %add3A_689 : vector<16x384xf32>
      %add3A_696 = arith.constant 14 : i32
      %add3A_697 = arith.addi %mul3A_430, %add3A_696 : i32
      %get3A_698 = arith.index_cast %add3A_697 : i32 to index
      %get3A_699 = memref.load %arg1[%get3A_698] : memref<4096xf32, #tpu.memory_space<smem>>
      %get3A_700 = arith.index_cast %add3A_697 : i32 to index
      %get3A_701 = memref.load %arg2[%get3A_700] : memref<4096xf32, #tpu.memory_space<smem>>
      %sub3A_702 = vector.broadcast %get3A_699 : f32 to vector<16x384xf32>
      %sub3A_703 = arith.subf %add3A_7, %sub3A_702 : vector<16x384xf32>
      %sub3A_704 = vector.broadcast %get3A_701 : f32 to vector<16x384xf32>
      %sub3A_705 = arith.subf %add3A_11, %sub3A_704 : vector<16x384xf32>
      %mul3A_706 = arith.mulf %sub3A_703, %sub3A_703 : vector<16x384xf32>
      %mul3A_707 = arith.mulf %sub3A_705, %sub3A_705 : vector<16x384xf32>
      %add3A_708 = arith.addf %mul3A_706, %mul3A_707 : vector<16x384xf32>
      %lt3A_709 = arith.cmpf olt, %add3A_708, %min3A_695 : vector<16x384xf32>
      %add3A_710 = arith.constant 1 : i32
      %add3A_711 = arith.addi %add3A_697, %add3A_710 : i32
      %broadcast_in_dim3A_712 = vector.broadcast %add3A_711 : i32 to vector<16x384xi32>
      %select_n3A_713 = arith.select %lt3A_709, %broadcast_in_dim3A_712, %select_n3A_694 : vector<16x384xi1>, vector<16x384xi32>
      %min3A_714 = arith.minimumf %min3A_695, %add3A_708 : vector<16x384xf32>
      %add3A_715 = arith.constant 15 : i32
      %add3A_716 = arith.addi %mul3A_430, %add3A_715 : i32
      %get3A_717 = arith.index_cast %add3A_716 : i32 to index
      %get3A_718 = memref.load %arg1[%get3A_717] : memref<4096xf32, #tpu.memory_space<smem>>
      %get3A_719 = arith.index_cast %add3A_716 : i32 to index
      %get3A_720 = memref.load %arg2[%get3A_719] : memref<4096xf32, #tpu.memory_space<smem>>
      %sub3A_721 = vector.broadcast %get3A_718 : f32 to vector<16x384xf32>
      %sub3A_722 = arith.subf %add3A_7, %sub3A_721 : vector<16x384xf32>
      %sub3A_723 = vector.broadcast %get3A_720 : f32 to vector<16x384xf32>
      %sub3A_724 = arith.subf %add3A_11, %sub3A_723 : vector<16x384xf32>
      %mul3A_725 = arith.mulf %sub3A_722, %sub3A_722 : vector<16x384xf32>
      %mul3A_726 = arith.mulf %sub3A_724, %sub3A_724 : vector<16x384xf32>
      %add3A_727 = arith.addf %mul3A_725, %mul3A_726 : vector<16x384xf32>
      %lt3A_728 = arith.cmpf olt, %add3A_727, %min3A_714 : vector<16x384xf32>
      %add3A_729 = arith.constant 1 : i32
      %add3A_730 = arith.addi %add3A_716, %add3A_729 : i32
      %broadcast_in_dim3A_731 = vector.broadcast %add3A_730 : i32 to vector<16x384xi32>
      %select_n3A_732 = arith.select %lt3A_728, %broadcast_in_dim3A_731, %select_n3A_713 : vector<16x384xi1>, vector<16x384xi32>
      %min3A_733 = arith.minimumf %min3A_714, %add3A_727 : vector<16x384xf32>
      scf.yield %min3A_733, %select_n3A_732 : vector<16x384xf32>, vector<16x384xi32>
    }
    %get3A_403 = arith.constant 0 : index
    %get3A_404 = arith.constant 0 : index
    %get3A_405 = vector.load %arg7[%get3A_403, %get3A_404] : memref<16x384xi32, #tpu.memory_space<vmem>>, vector<16x384xi32>
    %eq3A = arith.constant 1 : i32
    %eq3A_406 = vector.broadcast %eq3A : i32 to vector<16x384xi32>
    %eq3A_407 = arith.cmpi eq, %get3A_405, %eq3A_406 : vector<16x384xi32>
    %eq3A_408 = arith.constant 2 : i32
    %eq3A_409 = vector.broadcast %eq3A_408 : i32 to vector<16x384xi32>
    %eq3A_410 = arith.cmpi eq, %get3A_405, %eq3A_409 : vector<16x384xi32>
    %or3A = arith.ori %eq3A_407, %eq3A_410 : vector<16x384xi1>
    %jit3A_411 = arith.constant 0 : i32
    %broadcast_in_dim3A_412 = vector.broadcast %jit3A_411 : i32 to vector<16x384xi32>
    %select_n3A_413 = arith.select %or3A, %while3A_402#1, %broadcast_in_dim3A_412 : vector<16x384xi1>, vector<16x384xi32>
    %swap3A = arith.constant 0 : index
    %swap3A_414 = arith.constant 0 : index
    %swap3A_415 = vector.load %arg8[%swap3A, %swap3A_414] : memref<16x384xi32, #tpu.memory_space<vmem>>, vector<16x384xi32>
    tpu.vector_store %arg8[%swap3A, %swap3A_414], %select_n3A_413 {strides = array<i32>} : memref<16x384xi32, #tpu.memory_space<vmem>>, vector<16x384xi32>,
    %eq3A_416 = arith.constant 0 : i32
    %eq3A_417 = vector.broadcast %eq3A_416 : i32 to vector<16x384xi32>
    %eq3A_418 = arith.cmpi eq, %while3A_402#1, %eq3A_417 : vector<16x384xi32>
    %sqrt3A_419 = math.sqrt %while3A_402#0 : vector<16x384xf32>
    %jit3A_420 = arith.constant 1.000000e+05 : f32
    %broadcast_in_dim3A_421 = vector.broadcast %jit3A_420 : f32 to vector<16x384xf32>
    %select_n3A_422 = arith.select %eq3A_418, %broadcast_in_dim3A_421, %sqrt3A_419 : vector<16x384xi1>, vector<16x384xf32>
    %swap3A_423 = arith.constant 0 : index
    %swap3A_424 = arith.constant 0 : index
    %swap3A_425 = vector.load %arg9[%swap3A_423, %swap3A_424] : memref<16x384xf32, #tpu.memory_space<vmem>>, vector<16x384xf32>
    tpu.vector_store %arg9[%swap3A_423, %swap3A_424], %select_n3A_422 {strides = array<i32>} : memref<16x384xf32, #tpu.memory_space<vmem>>, vector<16x384xf32>,
    return
  }
  func.func @transform_0(%arg0: i32) -> i32 {
    %c0_i32 = arith.constant 0 : i32
    %c0_i32_0 = arith.constant 0 : i32
    return %c0_i32 : i32
  }
  func.func @transform_1(%arg0: i32) -> i32 {
    %c0_i32 = arith.constant 0 : i32
    %c0_i32_0 = arith.constant 0 : i32
    return %c0_i32 : i32
  }
  func.func @transform_2(%arg0: i32) -> (i32, i32) {
    %c0_i32 = arith.constant 0 : i32
    %c0_i32_0 = arith.constant 0 : i32
    %c0_i32_1 = arith.constant 0 : i32
    return %c0_i32, %c0_i32_0 : i32, i32
  }
  func.func @transform_3(%arg0: i32) -> (i32, i32) {
    %c0_i32 = arith.constant 0 : i32
    %c0_i32_0 = arith.constant 0 : i32
    %c0_i32_1 = arith.constant 0 : i32
    return %c0_i32, %c0_i32_0 : i32, i32
  }
  func.func @transform_4(%arg0: i32) -> (i32, i32) {
    %c0_i32 = arith.constant 0 : i32
    %c0_i32_0 = arith.constant 0 : i32
    return %arg0, %c0_i32 : i32, i32
  }
  func.func @transform_5(%arg0: i32) -> (i32, i32) {
    %c0_i32 = arith.constant 0 : i32
    %c0_i32_0 = arith.constant 0 : i32
    return %arg0, %c0_i32 : i32, i32
  }
  func.func @transform_6(%arg0: i32) -> (i32, i32) {
    %c0_i32 = arith.constant 0 : i32
    %c0_i32_0 = arith.constant 0 : i32
    return %arg0, %c0_i32 : i32, i32
  }
  func.func @transform_7(%arg0: i32) -> (i32, i32) {
    %c0_i32 = arith.constant 0 : i32
    %c0_i32_0 = arith.constant 0 : i32
    return %arg0, %c0_i32 : i32, i32
  }
  func.func @transform_8(%arg0: i32) -> (i32, i32) {
    %c0_i32 = arith.constant 0 : i32
    %c0_i32_0 = arith.constant 0 : i32
    return %arg0, %c0_i32 : i32, i32
  }
}

</mosaic_0001>

<sc_bundles>
// kernel: scatter_offload_async_start
scs
__scs_entry_jumppad:
0x0: {  	(pc) =	sbr.rel $0x88, $3  }
0x1: {  	(tag) =	ssettag $0x0;
	lr =	simm.s32 $0x1  }
0x2: {  	[smem:$0x3F9E] =	sst lr;
	_ =	strace $0xD0000000  }
0x3: {  	_ = 	snop  }
0x4: {  	_ = 	snop  }
0x5: {  	_ = 	snop  }
0x6: {  	_ = 	snop  }
0x7: {  	_ = 	snop  }
__scs_overlays_trampoline_lowered:
0x8: {  	[smem:$0x3FAD] =	sst s0  }
0x9: {  	[smem:$0x3FAE] =	sst s1  }
0xa: {  	[smem:$0x3FAF] =	sst s2  }
0xb: {  	[smem:$0x3FB0] =	sst s3  }
0xc: {  	[smem:$0x3FB1] =	sst s4  }
0xd: {  	[smem:$0x3FB2] =	sst s5  }
0xe: {  	[smem:$0x3FB3] =	sst s6  }
0xf: {  	[smem:$0x3FB4] =	sst s7  }
0x10: {  	[smem:$0x3FB5] =	sst s8  }
0x11: {  	[smem:$0x3FB6] =	sst s9;
	s0 =	simm.s32 @!p0 $0x0  }
0x12: {  	s1 =	sld [smem:$0x3F9C];
	s0 =	simm.s32 @p0 $0x1  }
0x13: {  	[smem:$0x3FB7] =	sst s0;
	s0 =	simm.s32 @!p1 $0x0  }
0x14: {  	s2 =	sld [smem:$0x3F9B];
	s0 =	simm.s32 @p1 $0x1  }
0x15: {  	[smem:$0x3FB8] =	sst s0;
	s0 =	simm.s32 @!p2 $0x0  }
0x16: {  	s3 =	sld [smem:$0x3FDB];
	s0 =	simm.s32 @p2 $0x1  }
0x17: {  	s4 =	simm.s32 $0x1BF5;
	[smem:$0x3FBA] =	sst s0  }
0x18: {  	s0 =	sld [smem:$0x3F9D];
	_ =	swait.ge [sflag:s4], $0x0  }
0x19: {  	s7 =	sld [smem:$0x3F9E]  }
0x1a: {  	s8 =	sadd.s32 $0xFFFFE003, lr  }
0x1b: {  	s9 =	sadd.s32 $0xFFFFFEF7, lr;
	s5 =	simm.s32 $0xFFFFFFFF;
	p2 =	slt.u32 s8, $0xFFFFF086  }
0x1c: {  	p1 =	slt.u32 s9, $0xF7A;
	s5 =	simm.s32 @!p2 $0x0  }
0x1d: {  	s5 =	simm.s32 @p1 $0x1;
	p0 =	seq.s32 s7, s2  }
0x1e: {  	s7 =	smul.u32 @!p0 $0xF7A, s2;
	p2 =	seq.s32 @!p0 s5, $0x0  }
0x1f: {  	s9 =	smul.u32 $0xF7A, s1;
	s8 =	simm.s32 @!p0 $0x1BF5;
	p2 =	por !p2, p0  }
0x20: {  	[sflag:s8] =	ssyncset.s32 @!p0 $0xFFFFF086;
	s6 =	sadd.s32 @!p0 s3, s7;
	s7 =	simm.s32 @!p0 $0x108  }
0x21: {  	s3 =	sadd.s32 s3, s9;
	s6 =	sadd.s32 @!p0 $0x88, s6;
	s7 =	simm.s32 @p2 $0x1082  }
0x22: {  	[simem:s7], [sflag:s8] =	dma.local @!p0 [hbm:s6], $0xF7A  }
0x23: {  	s9 =	sor.u32 $0xD0000000, s2;
	s6 =	simm.s32 $0x108;
	_ =	swait.ge @!p0 [sflag:s8], $0x0  }
0x24: {  	s3 =	sadd.s32 $0x88, s3;
	s6 =	simm.s32 @!p1 $0x1082;
	[sflag:s4] =	ssyncset.s32 $0xFFFFF086  }
0x25: {  	[simem:s6], [sflag:s4] =	dma.local [hbm:s3], $0xF7A  }
0x26: {  	[smem:$0x3F9E] =	sst s1;
	(tag) =	ssettag s2;
	_ =	strace s9  }
0x27: {  	s1 =	sld [smem:$0x3FAE]  }
0x28: {  	s2 =	sld [smem:$0x3FAF]  }
0x29: {  	s4 =	sld [smem:$0x3FB1]  }
0x2a: {  	p0 =	seq.s32 s5, $0x0;
	s5 =	sld [smem:$0x3FB2]  }
0x2b: {  	s6 =	sld [smem:$0x3FB3]  }
0x2c: {  	s7 =	sld [smem:$0x3FB4]  }
0x2d: {  	s3 =	simm.s32 $0x108;
	s8 =	sld [smem:$0x3FB5]  }
0x2e: {  	s3 =	simm.s32 @!p0 $0x1082;
	s9 =	sld [smem:$0x3FB6]  }
0x2f: {  	lr =	sadd.s32 s0, s3;
	s0 =	sld [smem:$0x3FAD]  }
0x30: {  	s3 =	sld [smem:$0x3FB0]  }
0x31: {  	[smem:$0x3FB9] =	sst s10  }
0x32: {  	s10 =	sld [smem:$0x3FB7];
	_ =	sdelay $0x3  }
0x33: {  	p0 =	seq.s32 s10, $0x1;
	s10 =	sld [smem:$0x3FB9];
	_ =	sdelay $0x3  }
0x34: {  	[smem:$0x3FB9] =	sst s10  }
0x35: {  	s10 =	sld [smem:$0x3FB8];
	_ =	sdelay $0x3  }
0x36: {  	p1 =	seq.s32 s10, $0x1;
	s10 =	sld [smem:$0x3FB9];
	_ =	sdelay $0x3  }
0x37: {  	[smem:$0x3FB9] =	sst s10  }
0x38: {  	s10 =	sld [smem:$0x3FBA]  }
0x39: {  	_ = 	snop;
	(pc) =	sbr.ind lr, $3  }
0x3a: {  	_ = 	snop  }
0x3b: {  	_ = 	snop  }
0x3c: {  	p2 =	seq.s32 s10, $0x1;
	s10 =	sld [smem:$0x3FB9]  }
0x3d: {  	_ =	shalt  }
0x3e: {  	_ =	shalt  }
0x3f: {  	_ =	shalt  }
0x40: {  	_ =	shalt  }
0x41: {  	_ =	shalt  }
0x42: {  	_ =	shalt  }
0x43: {  	_ =	shalt  }
0x44: {  	_ =	shalt  }
0x45: {  	_ =	shalt  }
0x46: {  	_ =	shalt  }
0x47: {  	_ =	shalt  }
0x48: {  	_ =	shalt  }
0x49: {  	_ =	shalt  }
0x4a: {  	_ =	shalt  }
0x4b: {  	_ =	shalt  }
0x4c: {  	_ =	shalt  }
0x4d: {  	_ =	shalt  }
0x4e: {  	_ =	shalt  }
0x4f: {  	_ =	shalt  }
0x50: {  	_ =	shalt  }
0x51: {  	_ =	shalt  }
0x52: {  	_ =	shalt  }
0x53: {  	_ =	shalt  }
0x54: {  	_ =	shalt  }
0x55: {  	_ =	shalt  }
0x56: {  	_ =	shalt  }
0x57: {  	_ =	shalt  }
0x58: {  	_ =	shalt  }
0x59: {  	_ =	shalt  }
0x5a: {  	_ =	shalt  }
0x5b: {  	_ =	shalt  }
0x5c: {  	_ =	shalt  }
0x5d: {  	_ =	shalt  }
0x5e: {  	_ =	shalt  }
0x5f: {  	_ =	shalt  }
0x60: {  	_ =	shalt  }
0x61: {  	_ =	shalt  }
0x62: {  	_ =	shalt  }
0x63: {  	_ =	shalt  }
0x64: {  	_ =	shalt  }
0x65: {  	_ =	shalt  }
0x66: {  	_ =	shalt  }
0x67: {  	_ =	shalt  }
0x68: {  	_ =	shalt  }
0x69: {  	_ =	shalt  }
0x6a: {  	_ =	shalt  }
0x6b: {  	_ =	shalt  }
0x6c: {  	_ =	shalt  }
0x6d: {  	_ =	shalt  }
0x6e: {  	_ =	shalt  }
0x6f: {  	_ =	shalt  }
0x70: {  	_ =	shalt  }
0x71: {  	_ =	shalt  }
0x72: {  	_ =	shalt  }
0x73: {  	_ =	shalt  }
0x74: {  	_ =	shalt  }
0x75: {  	_ =	shalt  }
0x76: {  	_ =	shalt  }
0x77: {  	_ =	shalt  }
0x78: {  	_ =	shalt  }
0x79: {  	_ =	shalt  }
0x7a: {  	_ =	shalt  }
0x7b: {  	_ =	shalt  }
0x7c: {  	_ =	shalt  }
0x7d: {  	_ =	shalt  }
0x7e: {  	_ =	shalt  }
0x7f: {  	_ =	shalt  }
0x80: {  	_ =	shalt  }
0x81: {  	_ =	shalt  }
0x82: {  	_ =	shalt  }
0x83: {  	_ =	shalt  }
0x84: {  	_ =	shalt  }
0x85: {  	_ =	shalt  }
0x86: {  	_ =	shalt  }
0x87: {  	_ =	shalt  }
.Lfunc_end0:
.L_simem_size_0:
called_computation_lowered:
.L_overlay_start_0:
0x88: {  	s0 =	sld [smem:$0x3FD9]  }
0x89: {  	s1 =	sld [smem:$0x3FFE];
	_ =	sdelay $0x3  }
0x8a: {  	s0 =	sadd.s32 s1, s0  }
0x8b: {  	[smem:$0x3FC5] =	sst s0  }
0x8c: {  	_ = 	snop  }
0x8d: {  	s0 =	sld [smem:$0x3FD0];
	_ =	sdelay $0x2  }
0x8e: {  	s14 =	simm.s32 $0xA;
	s2 =	simm.s32 $0x10  }
0x8f: {  	[smem:s2], [sflag:s14] =	dma.local [hbm:s0], $0x1  }
0x90: {  	_ =	swait.eq [sflag:s14], $0x1  }
0x91: {  	s15 =	sld [smem:$0x10];
	[sflag:s14] =	ssyncset.done $0x0  }
0x92: {  	s16 =	sld [smem:$0x11];
	[sflag:s14] =	ssyncadd.s32 $0xFFFFFFFF  }
0x93: {  	s17 =	sld [smem:$0x12];
	(tm) =	ssettm $0x1  }
0x94: {  	s3 =	sld [smem:$0x3FFB];
	_ =	sdelay $0x3  }
0x95: {  	_ =	strace s3  }
0x96: {  	s3 =	sld [smem:$0x3FFC];
	_ =	sdelay $0x3  }
0x97: {  	_ =	strace s3  }
0x98: {  	s3 =	sld [smem:$0x3FFD];
	_ =	sdelay $0x3  }
0x99: {  	_ =	strace s3  }
0x9a: {  	_ =	strace $0x8FFFFFFF  }
0x9b: {  	s18 =	sld [smem:$0x3FDB];
	_ =	sdelay $0x1  }
0x9c: {  	s4 =	simm.s32 $_scs_section_size  }
0x9d: {  	s5 =	simm.s32 $_size__tile_overlayer_lowered;
	s6 =	simm.s32 $_tile_overlayer_lowered  }
0x9e: {  	s21 =	simm.s32 $0x1BFF;
	s20 =	sshll.u32 s6, $0x1;
	s3 =	sadd.s32 s4, s18  }
0x9f: {  	s7 =	simm.s32 $0x0;
	s19 =	sshll.u32 s5, $0x1;
	s5 =	sadd.s32 s20, s3  }
0xa0: {  	[timem:s7], [sflag:s21] =	dma.local [hbm:s5], s19  }
0xa1: {  	_ =	swait.ge [sflag:s21], s19  }
0xa2: {  	s4 =	ssub.s32 $0x0, s19;
	[sflag:s21] =	ssyncset.done $0x0  }
0xa3: {  	[sflag:s21] =	ssyncadd.s32 s4;
	_ =	sdelay $0x1  }
0xa4: {  	s22 =	simm.s32 $0x1B8B  }
0xa5: {  	_ =	swait.ge [sflag:s22], $0x1  }
0xa6: {  	[sflag:s22] =	ssyncset.done $0x0  }
0xa7: {  	s23 =	simm.s32 $0x1B8E;
	[sflag:s22] =	ssyncadd.s32 $0xFFFFFFFF  }
0xa8: {  	s24 =	simm.s32 $execute0_lowered;
	[smem:$0x3FD2] =	sst s23  }
0xa9: {  	s4 =	sshll.u32 s24, $0x1;
	_ =	strace $0x80000046;
	[dreg:$0x1] =	wrdreg $0xFFFFFFFF  }
0xaa: {  	s25 =	simm.s32 $_size_execute0_lowered;
	s3 =	sadd.s32 s3, s4;
	[dreg:$0x0] =	wrdreg $0x0  }
0xab: {  	s4 =	sshll.u32 s25, $0x1;
	[dreg:$0x2] =	wrdreg s3  }
0xac: {  	[dreg:$0x3] =	wrdreg s4  }
0xad: {  	[dreg:$0x4] =	wrdreg $0xC0  }
0xae: {  	_ =	task [dreg:s7], $0x5FFFF  }
0xaf: {  	[dreg:$0x1] =	wrdreg $0xFFFFFFFF  }
0xb0: {  	[dreg:$0x0] =	wrdreg $0x60  }
0xb1: {  	[dreg:$0x2] =	wrdreg s16  }
0xb2: {  	[dreg:$0x3] =	wrdreg s17  }
0xb3: {  	[dreg:$0x4] =	wrdreg s15  }
0xb4: {  	[dreg:$0x5] =	wrdreg $0x9  }
0xb5: {  	_ =	task.clear_ibuf [dreg:s7], $0x6FFFF;
	_ =	strace $0x90000046  }
0xb6: {  	s26 =	simm.s32 $0x9;
	_ =	strace $0x80000048  }
0xb7: {  	_ =	swait.ge [sflag:s26], $0x1  }
0xb8: {  	[sflag:s26] =	ssyncadd.s32 $0xFFFFFFFF  }
0xb9: {  	_ =	strace $0x90000048  }
0xba: {  	_ =	sfence  }
0xbb: {  	s28 =	sld [smem:$0x0];
	_ =	sdelay $0x1  }
0xbc: {  	s29 =	srdreg.scid  }
0xbd: {  	s30 =	sshll.u32 s29, $0xD;
	s31 =	sshrl.u32 s29, $0x2  }
0xbe: {  	s1 =	sand.u32 $0x1, s29;
	s2 =	sand.u32 $0x4000, s30;
	s0 =	sadd.s32 s31, s28  }
0xbf: {  	s1 =	sor.u32 s2, s1;
	s0 =	sshll.u32 s0, $0x11  }
0xc0: {  	s0 =	sor.u32 s0, s1  }
0xc1: {  	s0 =	sadd.s32 $0x8F2B, s0  }
0xc2: {  	[sflag:s0] =	ssyncadd.remote.s32 $0x1  }
0xc3: {  	_ =	sfence.sel $0xFFFF  }
0xc4: {  	[dreg:$0x0] =	wrdreg $0xFFFFFFFF;
	(pc) =	sbr.abs _section_cstart, $3  }
0xc5: {  	[dreg:$0x1] =	wrdreg $0xFFFFFFFF  }
0xc6: {  	_ =	task.clear_ibuf [dreg:s7], $0x2FFFF;
	_ =	strace $0x9FFFFFFF  }
0xc7: {  	(tm) =	ssettm $0x7FFFFFFF  }
tec
execute0_lowered:
.L_overlay_start_1:
0x0: {  	(tag) =	ssettag $0x1  }
0x1: {  	s1 =	rddreg [dreg:$0x0]  }
0x2: {  	s2 =	rddreg [dreg:$0x1]  }
0x3: {  	s3 =	rddreg [dreg:$0x2]  }
0x4: {  	s0 =	rddreg [dreg:$0x3];
	s4 =	stileid.u32;
	_ =	strace $0x80000047  }
0x5: {  	s6 =	simm.s32 $0x3E;
	s8 =	simm.s32 $0x4000;
	s9 =	simm.s32 $0x0  }
0x6: {  	s11 =	simm.s32 $0x0;
	p0 =	sne.s32 s4, $0x0;
	[sflag:s6] =	ssyncpa.u1 $0x0  }
0x7: {  	s30 =	smin.u32 s4, $0x2;
	s5 =	simm.s32 @!p0 $0x1C3E;
	s7 =	simm.s32 @!p0 $0x0  }
0x8: {  	[spmem:s7], [sflag:s5] =	dma.local @!p0 [hbm:s1], $0x200  }
0x9: {  	p1 =	slt.u32 s4, $0x2;
	s5 =	simm.s32 @!p0 $0x3E;
	s7 =	sadd.s32 s4, s30  }
0xa: {  	s8 =	simm.s32 @!p1 $0x2000;
	_ =	swait.ge @!p0 [sflag:s5], $0x200;
	s4 =	sshll.u32 s7, $0xD  }
0xb: {  	s7 =	simm.s32 $0x2;
	[sflag:s5] =	ssyncset.done @!p0 $0x0;
	s31 =	sadd.s32 s8, s4  }
.Ltmp0:
0xc: {  	[sflag:s5] =	ssyncadd.s32 @!p0 $0xFFFFFE00;
	s5 =	smin.u32 s31, $0x24000;
	(pc) =	sbr.rel .LBB2_1-.Ltmp0, $4  }
0xd: {  	s10 =	smov.u32 s4;
	[bflag:$0x0] =	sbarrier.arrive $0xFFFF;
	s8 =	ssub.s32 s5, s4  }
0xe: {  	[sflag:s6] =	ssyncpa.u1 $0x1;
	s6 =	simm.s32 $0x1;
	p1 =	sgt.s32 s8, $0x0  }
0xf: {  	[sflag:s6] =	ssyncpa.u1 $0x0;
	(ifvalue) =	ssetifvalue $0x1000;
	s8 =	simm.s32 @!p1 $0x0  }
0x10: {  	vm0 =	vmmov $0xffff;
	[sflag:s7] =	ssyncpa.u1 $0x0;
	p1 =	por $0x0, $0x0;
	s8 =	sshrl.u32 s8, $0xD  }
.LBB2_5:
0x11: {  	p3 =	sne.s32 s11, s8  }
.Ltmp1:
0x12: {  	_ = 	snop;
	(pc) =	sbr.rel @!p3 .LBB2_6-.Ltmp1, $4  }
0x13: {  	_ = 	snop  }
0x14: {  	s12 =	sadd.s32 $0x2000, s10  }
0x15: {  	s10 =	smov.u32 s4;
	s13 =	sadd.s32 $0x1, s11;
	p2 =	slt.s32 s12, s5  }
0x16: {  	p1 =	por !p1, !p1;
	s11 =	smov.u32 s13;
	s10 =	smov.u32 @p2 s12  }
.LBB2_1:
0x17: {  	p2 =	sge.u32 s11, s8  }
0x18: {  	s12 =	sxor.u32 @!p2 $0xFFFFFFFF, s11  }
0x19: {  	s12 =	sshll.u32 @!p2 s12, $0xD  }
0x1a: {  	s13 =	sshrl.u32 @!p2 s10, $0x3;
	s12 =	sand.u32 @!p2 $0x2000, s12  }
0x1b: {  	s16 =	sand.u32 @!p2 $0x7, s10;
	s14 =	sadd.s32 @!p2 s2, s13;
	s15 =	sor.u32 @!p2 $0x100, s12  }
0x1c: {  	[tilespmem:s15], [sflag:$0x2] =	stream.linear.gather @!p2 [hbm4b:s14+s16], $0x2000, $0x38;
	[tilespmem:$0x8100] =	vst v63  }
0x1d: {  	s13 =	sadd.s32 @!p2 s3, s13;
	s12 =	sor.u32 @!p2 $0x4100, s12  }
0x1e: {  	[tilespmem:s12], [sflag:$0x2] =	stream.linear.gather @!p2 [hbm4b:s13+s16], $0x2000, $0x38;
	[tilespmem:$0x8100] =	vst v63  }
0x1f: {  	p2 =	seq.s32 s11, $0x0  }
.Ltmp2:
0x20: {  	_ = 	snop;
	(pc) =	sbr.rel @p2 .LBB2_5-.Ltmp2, $1  }
0x21: {  	_ =	sdelay $0x3  }
0x22: {  	s12 =	simm.s32 $0x1  }
0x23: {  	_ =	swait.ge [sflag:s7], $0x4000;
	s12 =	simm.s32 @!p1 $0x0  }
0x24: {  	[sflag:s7] =	ssyncset.done $0x0;
	s12 =	sshll.u32 s12, $0xD  }
0x25: {  	[sflag:s7] =	ssyncadd.s32 $0xFFFFC000;
	s14 =	sor.u32 $0x100, s12  }
0x26: {  	v0 =	vld.msk [tilespmem:s14+$0x0 ss:$0x1], $0xffff;
	_ =	sdelay $0x4  }
0x27: {  	v0 =	vmin.u32 v0, $0x1000;
	_ =	sdelay $0x3  }
0x28: {  	s13 =	simm.s32 $0x0;
	s12 =	sor.u32 $0x4100, s12;
	s14 =	sadd.s32 $0x10, s14  }
0x29: {  	[spmem:s9] =	stream.indirect_vreg.scatter.add.s32 [tilespmem:s12], [sflag:$0x1], $0x1, v0, vm0, $0x4038;
	[tilespmem:$0x8100] =	vst v63  }
.LBB2_3:
0x2a: {  	v0 =	vld.msk [tilespmem:s14+$0x0 ss:$0x1], $0xffff;
	s13 =	sadd.s32 $0x10, s13  }
0x2b: {  	p2 =	slt.u32 s13, $0x1FF0;
	_ =	sdelay $0x4  }
0x2c: {  	v0 =	vmin.u32 v0, $0x1000  }
.Ltmp3:
0x2d: {  	(pc) =	sbr.rel @p2 .LBB2_3-.Ltmp3, $3  }
0x2e: {  	_ =	sdelay $0x1  }
0x2f: {  	s14 =	sadd.s32 $0x10, s14;
	s12 =	sadd.s32 $0x10, s12  }
0x30: {  	[spmem:s9] =	stream.indirect_vreg.scatter.add.s32 [tilespmem:s12], [sflag:$0x1], $0x1, v0, vm0, $0x4038;
	[tilespmem:$0x8100] =	vst v63  }
.Ltmp4:
0x31: {  	(pc) =	sbr.rel .LBB2_5-.Ltmp4, $4  }
0x32: {  	_ = 	snop  }
0x33: {  	_ =	swait.ge [sflag:s6], $0x2000  }
0x34: {  	[sflag:s6] =	ssyncset.done $0x0  }
0x35: {  	[sflag:s6] =	ssyncadd.s32 $0xFFFFE000  }
.LBB2_6:
0x36: {  	_ =	sfence.sel $0x180000  }
0x37: {  	s2 =	simm.s32 $0x2;
	[bflag:$0x0] =	sbarrier.arrive $0xFFFF  }
0x38: {  	s30 =	simm.s32 $0x1;
	[sflag:s2] =	ssyncpa.u1 $0x1  }
0x39: {  	[sflag:s30] =	ssyncpa.u1 $0x1  }
0x3a: {  	_ =	sfence.stream.spmem  }
0x3b: {  	s31 =	simm.s32 $0x3D;
	[bflag:$0x0] =	sbarrier.arrive $0xFFFF  }
0x3c: {  	s2 =	simm.s32 @p0 $0x3D;
	[sflag:s31] =	ssyncpa.u1 $0x0  }
0x3d: {  	[sflag:s2] =	ssyncpa.u1 @p0 $0x1  }
0x3e: {  	[bflag:$0x0] =	sbarrier.arrive @p0 $0xFFFF  }
0x3f: {  	_ =	strace @p0 $0x90000047  }
0x40: {  	s3 =	simm.s32 @!p0 $0x1C3D;
	s2 =	simm.s32 @!p0 $0x0;
	[bflag:$0x2] =	sbarrier.arrive @p0 $0xFFFF  }
0x41: {  	[hbm:s1], [sflag:s3] =	dma.local @!p0 [spmem:s2], $0x200  }
0x42: {  	s1 =	simm.s32 @!p0 $0x3D  }
0x43: {  	_ =	swait.ge @!p0 [sflag:s1], $0x200  }
0x44: {  	[sflag:s1] =	ssyncset.done @!p0 $0x0  }
0x45: {  	[sflag:s1] =	ssyncadd.s32 @!p0 $0xFFFFFE00  }
0x46: {  	[sflag:s1] =	ssyncpa.u1 @!p0 $0x1  }
0x47: {  	[bflag:$0x0] =	sbarrier.arrive @!p0 $0xFFFF  }
0x48: {  	_ =	strace @!p0 $0x90000047  }
0x49: {  	s0 =	sadd.s32 @!p0 $0x100000, s0;
	[bflag:$0x2] =	sbarrier.arrive @!p0 $0xFFFF  }
0x4a: {  	[sflag:s0] =	ssyncadd.tile.s32 @!p0 $0x1;
	_ =	shalt  }
.Lfunc_end2:
_tile_overlayer_lowered:
.L_overlay_start_2:
0x4b: {  	(tag) =	ssettag $0x2  }
0x4c: {  	s0 =	rddreg [dreg:$0x0];
	s2 =	stileid.u32  }
0x4d: {  	s1 =	rddreg [dreg:$0x1];
	p0 =	sne.s32 s2, $0x0  }
0x4e: {  	s3 =	rddreg [dreg:$0x2];
	[bflag:$0x3] =	sbarrier.arrive $0xFFFF;
	s2 =	simm.s32 @!p0 $0x1C01  }
0x4f: {  	[timem:s3], [sflag:s2] =	dma.local @!p0 [hbm:s0], s1  }
0x50: {  	s0 =	simm.s32 @!p0 $0x1  }
0x51: {  	_ =	swait.ge @!p0 [sflag:s0], s1  }
0x52: {  	s1 =	ssub.s32 @!p0 $0x0, s1;
	[sflag:s0] =	ssyncset.done @!p0 $0x0  }
0x53: {  	[sflag:s0] =	ssyncadd.s32 @!p0 s1  }
0x54: {  	[bflag:$0x3] =	sbarrier.arrive $0xFFFF  }
0x55: {  	_ =	shalt  }

</sc_bundles>
